<compile_context>
chip_gen: v7x
topology: tpu7x:2x2x1
jax: 0.10.2.dev20260603
libtpu: 0.0.44.dev20260713+nightly
codegen_flags: <defaults>
</compile_context>

<pallas_src>
import functools

import jax
import jax.numpy as jnp
from jax import lax
from jax.experimental import pallas as pl
from jax.experimental.pallas import tpu as pltpu
from jax.experimental.pallas import tpu_sc as plsc

B = 16
C = 2
HW = 512 * 512
K = 500
KPAD = 512
LANES = 16
KH = KPAD
NCHUNK = KH // LANES
ELEMS_PER_TILE = 2 * KH
GATHER_GROUP = 128
NGROUP = ELEMS_PER_TILE // GATHER_GROUP


def _sc_body(table_hbm, ind_hbm, buf_hbm,
             part_out,
             ind_v, mask_v, tgt_v, idx_v, vals_v, acc_v, sem, sem2, sem3):
    wid = lax.axis_index("s")
    b = wid
    k0 = 0

    mcp = pltpu.async_copy(buf_hbm.at[b, pl.ds(k0, KH)], mask_v, sem2)
    tcp = pltpu.async_copy(
        buf_hbm.at[b, pl.ds(KPAD, 2 * KH)], tgt_v, sem2)
    pltpu.sync_copy(ind_hbm.at[b, pl.ds(k0, KH)], ind_v)

    base0 = b * (C * HW)

    def _idx_body(li, carry):
        ind_c = ind_v[pl.ds(pl.multiple_of(li * LANES, LANES), LANES)]
        flat0 = (base0 + (ind_c & -4096)
                 + ((ind_c & (3 << 7)) << 3)
                 + ((ind_c & (7 << 9)) >> 2)
                 + (ind_c & 127))
        g = li // 8
        o = pl.multiple_of((li % 8) * LANES, LANES)
        idx_v[g, pl.ds(o, LANES)] = flat0
        idx_v[NGROUP // 2 + g, pl.ds(o, LANES)] = flat0 + HW
        return carry

    def _fire(j, s):
        return pltpu.async_copy(
            table_hbm.at[idx_v.at[j]],
            vals_v.at[pl.ds(j * GATHER_GROUP, GATHER_GROUP)],
            s,
        )

    lax.fori_loop(0, NCHUNK // 2, _idx_body, 0)
    ga = [_fire(0, sem), _fire(1, sem), _fire(4, sem), _fire(5, sem)]
    lax.fori_loop(NCHUNK // 2, NCHUNK, _idx_body, 0)
    gb = [_fire(2, sem3), _fire(3, sem3), _fire(6, sem3), _fire(7, sem3)]
    mcp.wait()
    tcp.wait()

    zero = jnp.zeros((LANES,), jnp.float32)

    def _loss_body(li, carry):
        l_acc, n_acc = carry
        lsl = pl.ds(pl.multiple_of(li * LANES, LANES), LANES)
        v0 = vals_v[lsl]
        v1 = vals_v[pl.ds(pl.multiple_of(li * LANES + KH, LANES), LANES)]
        m = mask_v[lsl]
        tbase = (li >> 3) * 256 + (li & 7) * LANES
        t0 = tgt_v[pl.ds(pl.multiple_of(tbase, LANES), LANES)]
        t1 = tgt_v[pl.ds(pl.multiple_of(tbase + 128, LANES), LANES)]
        d0 = (v0 - t0) * m
        d1 = (v1 - t1) * m
        a0 = jnp.abs(d0)
        a1 = jnp.abs(d1)
        e0 = jnp.where(a0 < 1.0, 0.5 * d0 * d0, a0 - 0.5)
        e1 = jnp.where(a1 < 1.0, 0.5 * d1 * d1, a1 - 0.5)
        return l_acc + e0 + e1, n_acc + m

    for cp in ga:
        cp.wait()
    acc_half = lax.fori_loop(0, NCHUNK // 2, _loss_body, (zero, zero))
    for cp in gb:
        cp.wait()
    loss_acc, num_acc = lax.fori_loop(
        NCHUNK // 2, NCHUNK, _loss_body, acc_half)

    acc_v[pl.ds(0, LANES)] = loss_acc
    acc_v[pl.ds(LANES, LANES)] = num_acc
    for z in range(2, 8):
        acc_v[pl.ds(z * LANES, LANES)] = zero
    pltpu.sync_copy(acc_v, part_out.at[wid])


@jax.jit
def _reg_loss_sc(table, ind_pad, buf):
    mesh = plsc.VectorSubcoreMesh(core_axis_name="c", subcore_axis_name="s", num_cores=1)
    k = functools.partial(
        pl.kernel,
        mesh=mesh,
        out_type=jax.ShapeDtypeStruct((16, 128), jnp.float32),
        scratch_types=[
            pltpu.VMEM((KH,), jnp.int32),
            pltpu.VMEM((KH,), jnp.float32),
            pltpu.VMEM((2 * KH,), jnp.float32),
            pltpu.VMEM((NGROUP, GATHER_GROUP), jnp.int32),
            pltpu.VMEM((ELEMS_PER_TILE,), jnp.float32),
            pltpu.VMEM((128,), jnp.float32),
            pltpu.SemaphoreType.DMA,
            pltpu.SemaphoreType.DMA,
            pltpu.SemaphoreType.DMA,
        ],
    )(_sc_body)
    part = k(table, ind_pad, buf)
    num = part[:, LANES:2 * LANES].sum()
    return part[:, :LANES].sum() / (num + 0.0001)


def kernel(output, mask, ind, target):
    table = jnp.transpose(
        output.reshape(B, C, 512 // 8, 8, 512 // 128, 128),
        (0, 1, 2, 4, 3, 5)).reshape(B * C * HW)
    ind_pad = jnp.pad(ind.astype(jnp.int32), ((0, 0), (0, KPAD - K)))
    maskf = jnp.pad(mask.astype(jnp.float32), ((0, 0), (0, KPAD - K)))
    t4 = jnp.transpose(
        jnp.pad(target, ((0, 0), (0, KPAD - K), (0, 0))).reshape(
            B, KPAD // 128, 128, C),
        (0, 1, 3, 2)).reshape(B, 2 * KPAD)
    buf = jnp.concatenate([maskf, t4], axis=1)
    return _reg_loss_sc(table, ind_pad, buf)

# --- scband reference (transcript-rebuilt; emitter-appended) ---
"""Pipeline reference for scband-reg-loss-7129645711483 (READ-ONLY COPY).

The authoritative reference and input builder live on the scoring server;
editing this copy changes nothing except your own understanding.
"""

import jax, jax.numpy as jnp
import numpy as np


def setup_inputs(seed: int = 0) -> dict:
    key = jax.random.key(seed)
    k1, k2, k3, k4 = jax.random.split(key, 4)
    output = jax.random.normal(k1, (16, 2, 512, 512), dtype=jnp.float32)
    mask = jax.random.randint(k2, (16, 500), 0, 2).astype(jnp.bool_)
    ind = jax.random.randint(k3, (16, 500), 0, 262144)
    target = jax.random.normal(k4, (16, 500, 2), dtype=jnp.float32)
    return {"output": output, "mask": mask, "ind": ind, "target": target}


def reference(output, mask, ind, target):
    B, C, H, W = output.shape
    K = ind.shape[1]
    # _transpose_and_gather_feat: permute(0,2,3,1) -> view(B, H*W, C) -> gather along dim 1
    feat = jnp.transpose(output, (0, 2, 3, 1)).reshape(B, H * W, C)
    idx = jnp.broadcast_to(ind[:, :, None], (B, K, C))
    pred = jnp.take_along_axis(feat, idx, axis=1)
    # _reg_loss: masked smooth_l1 with sum reduction, normalized by num positives
    num = mask.astype(jnp.float32).sum()
    m = jnp.broadcast_to(mask[:, :, None], target.shape).astype(jnp.float32)
    regr = pred * m
    gt_regr = target * m
    d = regr - gt_regr
    ad = jnp.abs(d)
    # smooth_l1_loss with beta=1.0, sum reduction (size_average=False)
    elem = jnp.where(ad < 1.0, 0.5 * d * d, ad - 0.5)
    regr_loss = elem.sum()
    return regr_loss / (num + 0.0001)

if __name__ == "__main__":
    import jax
    _d = setup_inputs()
    print(jax.jit(kernel)(*tuple(_d.values())))

</pallas_src>

<mosaic_0001>
#map = affine_map<(d0, d1) -> (0)>
#map1 = affine_map<(d0, d1) -> (0, 0)>
module attributes {stable_mosaic.version = 14 : i64} {
  func.func @_sc_body(%arg0: i32, %arg1: i32, %arg2: memref<8388608xf32, #tpu.memory_space<hbm>>, %arg3: memref<16x512xi32, #tpu.memory_space<hbm>>, %arg4: memref<16x1536xf32, #tpu.memory_space<hbm>>, %arg5: memref<16x128xf32, #tpu.memory_space<hbm>>, %arg6: memref<512xi32, #tpu.memory_space<vmem>>, %arg7: memref<512xf32, #tpu.memory_space<vmem>>, %arg8: memref<1024xf32, #tpu.memory_space<vmem>>, %arg9: memref<8x128xi32, #tpu.memory_space<vmem>>, %arg10: memref<1024xf32, #tpu.memory_space<vmem>>, %arg11: memref<128xf32, #tpu.memory_space<vmem>>, %arg12: memref<!tpu.dma_semaphore, #tpu.memory_space<semaphore_mem>>, %arg13: memref<!tpu.dma_semaphore, #tpu.memory_space<semaphore_mem>>, %arg14: memref<!tpu.dma_semaphore, #tpu.memory_space<semaphore_mem>>) attributes {dimension_semantics = [#tpu.dimension_semantics<core_parallel>, #tpu.dimension_semantics<subcore_parallel>], iteration_bounds = array<i64: 1, 16>, scalar_prefetch = 0 : i64, scratch_operands = 9 : i64, tpu.core_type = #tpu.core_type<sc_vector_subcore>, window_params = [{transform_indices = #map}, {transform_indices = #map1}, {transform_indices = #map1}, {transform_indices = #map1}]} {
    %dma_start3A = arith.constant 0 : i32
    %dma_start3A_0 = tpu.memref_slice %arg4[%arg1, %dma_start3A] : memref<16x1536xf32, #tpu.memory_space<hbm>> -> memref<1x512xf32, #tpu.memory_space<hbm>>
    %dma_start3A_1 = tpu.memref_squeeze %dma_start3A_0 : memref<1x512xf32, #tpu.memory_space<hbm>> -> memref<512xf32, #tpu.memory_space<hbm>>
    %dma_start3A_2 = arith.constant 0 : i32
    %dma_start3A_3 = tpu.memref_slice %arg4[%arg1, %dma_start3A_2] : memref<16x1536xf32, #tpu.memory_space<hbm>> -> memref<1x512xf32, #tpu.memory_space<hbm>>
    %dma_start3A_4 = tpu.memref_squeeze %dma_start3A_3 : memref<1x512xf32, #tpu.memory_space<hbm>> -> memref<512xf32, #tpu.memory_space<hbm>>
    tpu.enqueue_dma source(%dma_start3A_4 : memref<512xf32, #tpu.memory_space<hbm>>) target(%arg7 : memref<512xf32, #tpu.memory_space<vmem>>) target_semaphore(%arg13 : memref<!tpu.dma_semaphore, #tpu.memory_space<semaphore_mem>>)
    %dma_start3A_5 = arith.constant 512 : i32
    %dma_start3A_6 = tpu.memref_slice %arg4[%arg1, %dma_start3A_5] : memref<16x1536xf32, #tpu.memory_space<hbm>> -> memref<1x1024xf32, #tpu.memory_space<hbm>>
    %dma_start3A_7 = tpu.memref_squeeze %dma_start3A_6 : memref<1x1024xf32, #tpu.memory_space<hbm>> -> memref<1024xf32, #tpu.memory_space<hbm>>
    %dma_start3A_8 = arith.constant 512 : i32
    %dma_start3A_9 = tpu.memref_slice %arg4[%arg1, %dma_start3A_8] : memref<16x1536xf32, #tpu.memory_space<hbm>> -> memref<1x1024xf32, #tpu.memory_space<hbm>>
    %dma_start3A_10 = tpu.memref_squeeze %dma_start3A_9 : memref<1x1024xf32, #tpu.memory_space<hbm>> -> memref<1024xf32, #tpu.memory_space<hbm>>
    tpu.enqueue_dma source(%dma_start3A_10 : memref<1024xf32, #tpu.memory_space<hbm>>) target(%arg8 : memref<1024xf32, #tpu.memory_space<vmem>>) target_semaphore(%arg13 : memref<!tpu.dma_semaphore, #tpu.memory_space<semaphore_mem>>)
    "tpu.region"() ({
      %run_scoped3A = tpu.sem_alloc : memref<!tpu.dma_semaphore, #tpu.memory_space<semaphore_mem>>
      %dma_start3A_206 = arith.constant 0 : i32
      %dma_start3A_207 = tpu.memref_slice %arg3[%arg1, %dma_start3A_206] : memref<16x512xi32, #tpu.memory_space<hbm>> -> memref<1x512xi32, #tpu.memory_space<hbm>>
      %dma_start3A_208 = tpu.memref_squeeze %dma_start3A_207 : memref<1x512xi32, #tpu.memory_space<hbm>> -> memref<512xi32, #tpu.memory_space<hbm>>
      %dma_start3A_209 = arith.constant 0 : i32
      %dma_start3A_210 = tpu.memref_slice %arg3[%arg1, %dma_start3A_209] : memref<16x512xi32, #tpu.memory_space<hbm>> -> memref<1x512xi32, #tpu.memory_space<hbm>>
      %dma_start3A_211 = tpu.memref_squeeze %dma_start3A_210 : memref<1x512xi32, #tpu.memory_space<hbm>> -> memref<512xi32, #tpu.memory_space<hbm>>
      tpu.enqueue_dma source(%dma_start3A_211 : memref<512xi32, #tpu.memory_space<hbm>>) target(%arg6 : memref<512xi32, #tpu.memory_space<vmem>>) target_semaphore(%run_scoped3A : memref<!tpu.dma_semaphore, #tpu.memory_space<semaphore_mem>>)
      %dma_wait3A_212 = arith.constant 0 : i32
      %dma_wait3A_213 = tpu.memref_slice %arg3[%arg1, %dma_wait3A_212] : memref<16x512xi32, #tpu.memory_space<hbm>> -> memref<1x512xi32, #tpu.memory_space<hbm>>
      %dma_wait3A_214 = tpu.memref_squeeze %dma_wait3A_213 : memref<1x512xi32, #tpu.memory_space<hbm>> -> memref<512xi32, #tpu.memory_space<hbm>>
      %dma_wait3A_215 = arith.constant 0 : i32
      %dma_wait3A_216 = tpu.memref_slice %arg3[%arg1, %dma_wait3A_215] : memref<16x512xi32, #tpu.memory_space<hbm>> -> memref<1x512xi32, #tpu.memory_space<hbm>>
      %dma_wait3A_217 = tpu.memref_squeeze %dma_wait3A_216 : memref<1x512xi32, #tpu.memory_space<hbm>> -> memref<512xi32, #tpu.memory_space<hbm>>
      tpu.wait_dma2 semaphore(%run_scoped3A : memref<!tpu.dma_semaphore, #tpu.memory_space<semaphore_mem>>) src(%dma_wait3A_217 : memref<512xi32, #tpu.memory_space<hbm>>) dst(%arg6 : memref<512xi32, #tpu.memory_space<vmem>>)
      tpu.yield
    }) : () -> ()
    %mul3A = arith.constant 524288 : i32
    %mul3A_11 = arith.muli %arg1, %mul3A : i32
    %scan3A = arith.constant 0 : i32
    %scan3A_12 = arith.constant 0 : i32
    %scan3A_13 = arith.constant 16 : i32
    %scan3A_14 = arith.addi %scan3A_12, %scan3A_13 : i32
    %scan3A_15 = arith.constant 1 : i32
    scf.for %scan3A_206 = %scan3A_12 to %scan3A_14 step %scan3A_15  : i32 {
      %mul3A_207 = arith.constant 16 : i32
      %mul3A_208 = arith.muli %scan3A_206, %mul3A_207 : i32
      %multiple_of3A = tpu.assume_multiple %mul3A_208, 16 : i32
      %get3A = arith.index_cast %multiple_of3A : i32 to index
      %get3A_209 = tpu.vector_load %arg6[%get3A] {strides = array<i32>} : memref<512xi32, #tpu.memory_space<vmem>>, vector<16xi32>,
      %get3A_210 = vector.shape_cast %get3A_209 : vector<16xi32> to vector<16xi32>
      %and3A = arith.constant -4096 : i32
      %and3A_211 = vector.broadcast %and3A : i32 to vector<16xi32>
      %and3A_212 = arith.andi %get3A_210, %and3A_211 : vector<16xi32>
      %add3A = vector.broadcast %mul3A_11 : i32 to vector<16xi32>
      %add3A_213 = arith.addi %add3A, %and3A_212 : vector<16xi32>
      %and3A_214 = arith.constant 384 : i32
      %and3A_215 = vector.broadcast %and3A_214 : i32 to vector<16xi32>
      %and3A_216 = arith.andi %get3A_210, %and3A_215 : vector<16xi32>
      %shift_left3A = arith.constant 3 : i32
      %shift_left3A_217 = vector.broadcast %shift_left3A : i32 to vector<16xi32>
      %shift_left3A_218 = arith.shli %and3A_216, %shift_left3A_217 : vector<16xi32>
      %add3A_219 = arith.addi %add3A_213, %shift_left3A_218 : vector<16xi32>
      %and3A_220 = arith.constant 3584 : i32
      %and3A_221 = vector.broadcast %and3A_220 : i32 to vector<16xi32>
      %and3A_222 = arith.andi %get3A_210, %and3A_221 : vector<16xi32>
      %shift_right_arithmetic3A = arith.constant 2 : i32
      %shift_right_arithmetic3A_223 = vector.broadcast %shift_right_arithmetic3A : i32 to vector<16xi32>
      %shift_right_arithmetic3A_224 = arith.shrsi %and3A_222, %shift_right_arithmetic3A_223 : vector<16xi32>
      %add3A_225 = arith.addi %add3A_219, %shift_right_arithmetic3A_224 : vector<16xi32>
      %and3A_226 = arith.constant 127 : i32
      %and3A_227 = vector.broadcast %and3A_226 : i32 to vector<16xi32>
      %and3A_228 = arith.andi %get3A_210, %and3A_227 : vector<16xi32>
      %add3A_229 = arith.addi %add3A_225, %and3A_228 : vector<16xi32>
      %jit3A = arith.constant 8 : i32
      %div3A = arith.divsi %scan3A_206, %jit3A : i32
      %sign3A = arith.constant 0 : i32
      %sign3A_230 = arith.cmpi sgt, %scan3A_206, %sign3A : i32
      %sign3A_231 = arith.extui %sign3A_230 : i1 to i32
      %sign3A_232 = arith.constant 0 : i32
      %sign3A_233 = arith.cmpi slt, %scan3A_206, %sign3A_232 : i32
      %sign3A_234 = arith.extui %sign3A_233 : i1 to i32
      %sign3A_235 = arith.subi %sign3A_231, %sign3A_234 : i32
      %sign3A_236 = arith.constant 0 : i32
      %sign3A_237 = arith.cmpi sgt, %jit3A, %sign3A_236 : i32
      %sign3A_238 = arith.extui %sign3A_237 : i1 to i32
      %sign3A_239 = arith.constant 0 : i32
      %sign3A_240 = arith.cmpi slt, %jit3A, %sign3A_239 : i32
      %sign3A_241 = arith.extui %sign3A_240 : i1 to i32
      %sign3A_242 = arith.subi %sign3A_238, %sign3A_241 : i32
      %ne3A = arith.cmpi ne, %sign3A_235, %sign3A_242 : i32
      %rem3A = arith.remsi %scan3A_206, %jit3A : i32
      %ne3A_243 = arith.constant 0 : i32
      %ne3A_244 = arith.cmpi ne, %rem3A, %ne3A_243 : i32
      %and3A_245 = arith.andi %ne3A, %ne3A_244 : i1
      %sub3A = arith.constant 1 : i32
      %sub3A_246 = arith.subi %div3A, %sub3A : i32
      %select_n3A = arith.select %and3A_245, %sub3A_246, %div3A : i32
      %jit3A_247 = arith.constant 8 : i32
      %eq3A = arith.constant 0 : i32
      %eq3A_248 = arith.cmpi eq, %jit3A_247, %eq3A : i32
      %jit3A_249 = arith.constant 1 : i32
      %select_n3A_250 = arith.select %eq3A_248, %jit3A_249, %jit3A_247 : i32
      %rem3A_251 = arith.remsi %scan3A_206, %select_n3A_250 : i32
      %ne3A_252 = arith.constant 0 : i32
      %ne3A_253 = arith.cmpi ne, %rem3A_251, %ne3A_252 : i32
      %lt3A = arith.constant 0 : i32
      %lt3A_254 = arith.cmpi slt, %rem3A_251, %lt3A : i32
      %lt3A_255 = arith.constant 0 : i32
      %lt3A_256 = arith.cmpi slt, %select_n3A_250, %lt3A_255 : i32
      %ne3A_257 = arith.xori %lt3A_254, %lt3A_256 : i1
      %and3A_258 = arith.andi %ne3A_257, %ne3A_253 : i1
      %add3A_259 = arith.addi %rem3A_251, %select_n3A_250 : i32
      %select_n3A_260 = arith.select %and3A_258, %add3A_259, %rem3A_251 : i32
      %mul3A_261 = arith.constant 16 : i32
      %mul3A_262 = arith.muli %select_n3A_260, %mul3A_261 : i32
      %multiple_of3A_263 = tpu.assume_multiple %mul3A_262, 16 : i32
      %swap3A_264 = arith.index_cast %select_n3A : i32 to index
      %swap3A_265 = arith.index_cast %multiple_of3A_263 : i32 to index
      %swap3A_266 = tpu.vector_load %arg9[%swap3A_264, %swap3A_265] {strides = array<i32>} : memref<8x128xi32, #tpu.memory_space<vmem>>, vector<1x16xi32>,
      %swap3A_267 = vector.shape_cast %swap3A_266 : vector<1x16xi32> to vector<16xi32>
      %swap3A_268 = vector.shape_cast %add3A_229 : vector<16xi32> to vector<1x16xi32>
      tpu.vector_store %arg9[%swap3A_264, %swap3A_265], %swap3A_268 {strides = array<i32>} : memref<8x128xi32, #tpu.memory_space<vmem>>, vector<1x16xi32>,
      %add3A_269 = arith.constant 262144 : i32
      %add3A_270 = vector.broadcast %add3A_269 : i32 to vector<16xi32>
      %add3A_271 = arith.addi %add3A_229, %add3A_270 : vector<16xi32>
      %add3A_272 = arith.constant 4 : i32
      %add3A_273 = arith.addi %add3A_272, %select_n3A : i32
      %swap3A_274 = arith.index_cast %add3A_273 : i32 to index
      %swap3A_275 = arith.index_cast %multiple_of3A_263 : i32 to index
      %swap3A_276 = tpu.vector_load %arg9[%swap3A_274, %swap3A_275] {strides = array<i32>} : memref<8x128xi32, #tpu.memory_space<vmem>>, vector<1x16xi32>,
      %swap3A_277 = vector.shape_cast %swap3A_276 : vector<1x16xi32> to vector<16xi32>
      %swap3A_278 = vector.shape_cast %add3A_271 : vector<16xi32> to vector<1x16xi32>
      tpu.vector_store %arg9[%swap3A_274, %swap3A_275], %swap3A_278 {strides = array<i32>} : memref<8x128xi32, #tpu.memory_space<vmem>>, vector<1x16xi32>,
    }
    %scan3A_16 = arith.constant 16 : i32
    %dma_start3A_17 = arith.constant 0 : i32
    %dma_start3A_18 = arith.constant 0 : i32
    %dma_start3A_19 = tpu.memref_slice %arg10[%dma_start3A_18] : memref<1024xf32, #tpu.memory_space<vmem>> -> memref<128xf32, #tpu.memory_space<vmem>>
    %dma_start3A_20 = arith.constant 0 : i32
    %dma_start3A_21 = tpu.memref_slice %arg9[%dma_start3A_17, %dma_start3A_20] : memref<8x128xi32, #tpu.memory_space<vmem>> -> memref<1x128xi32, #tpu.memory_space<vmem>>
    %dma_start3A_22 = tpu.memref_squeeze %dma_start3A_21 : memref<1x128xi32, #tpu.memory_space<vmem>> -> memref<128xi32, #tpu.memory_space<vmem>>
    %dma_start3A_23 = arith.constant 0 : i32
    %dma_start3A_24 = tpu.memref_slice %arg2[%dma_start3A_23] : memref<8388608xf32, #tpu.memory_space<hbm>> -> memref<8388608xf32, #tpu.memory_space<hbm>>
    tpu.enqueue_indirect_dma source(%dma_start3A_24 : memref<8388608xf32, #tpu.memory_space<hbm>>) target(%dma_start3A_19 : memref<128xf32, #tpu.memory_space<vmem>>) offsets(%dma_start3A_22 : memref<128xi32, #tpu.memory_space<vmem>>) semaphore(%arg12 : memref<!tpu.dma_semaphore, #tpu.memory_space<semaphore_mem>>)
    %dma_start3A_25 = arith.constant 1 : i32
    %dma_start3A_26 = arith.constant 128 : i32
    %dma_start3A_27 = tpu.memref_slice %arg10[%dma_start3A_26] : memref<1024xf32, #tpu.memory_space<vmem>> -> memref<128xf32, #tpu.memory_space<vmem>>
    %dma_start3A_28 = arith.constant 0 : i32
    %dma_start3A_29 = tpu.memref_slice %arg9[%dma_start3A_25, %dma_start3A_28] : memref<8x128xi32, #tpu.memory_space<vmem>> -> memref<1x128xi32, #tpu.memory_space<vmem>>
    %dma_start3A_30 = tpu.memref_squeeze %dma_start3A_29 : memref<1x128xi32, #tpu.memory_space<vmem>> -> memref<128xi32, #tpu.memory_space<vmem>>
    %dma_start3A_31 = arith.constant 0 : i32
    %dma_start3A_32 = tpu.memref_slice %arg2[%dma_start3A_31] : memref<8388608xf32, #tpu.memory_space<hbm>> -> memref<8388608xf32, #tpu.memory_space<hbm>>
    tpu.enqueue_indirect_dma source(%dma_start3A_32 : memref<8388608xf32, #tpu.memory_space<hbm>>) target(%dma_start3A_27 : memref<128xf32, #tpu.memory_space<vmem>>) offsets(%dma_start3A_30 : memref<128xi32, #tpu.memory_space<vmem>>) semaphore(%arg12 : memref<!tpu.dma_semaphore, #tpu.memory_space<semaphore_mem>>)
    %dma_start3A_33 = arith.constant 4 : i32
    %dma_start3A_34 = arith.constant 512 : i32
    %dma_start3A_35 = tpu.memref_slice %arg10[%dma_start3A_34] : memref<1024xf32, #tpu.memory_space<vmem>> -> memref<128xf32, #tpu.memory_space<vmem>>
    %dma_start3A_36 = arith.constant 0 : i32
    %dma_start3A_37 = tpu.memref_slice %arg9[%dma_start3A_33, %dma_start3A_36] : memref<8x128xi32, #tpu.memory_space<vmem>> -> memref<1x128xi32, #tpu.memory_space<vmem>>
    %dma_start3A_38 = tpu.memref_squeeze %dma_start3A_37 : memref<1x128xi32, #tpu.memory_space<vmem>> -> memref<128xi32, #tpu.memory_space<vmem>>
    %dma_start3A_39 = arith.constant 0 : i32
    %dma_start3A_40 = tpu.memref_slice %arg2[%dma_start3A_39] : memref<8388608xf32, #tpu.memory_space<hbm>> -> memref<8388608xf32, #tpu.memory_space<hbm>>
    tpu.enqueue_indirect_dma source(%dma_start3A_40 : memref<8388608xf32, #tpu.memory_space<hbm>>) target(%dma_start3A_35 : memref<128xf32, #tpu.memory_space<vmem>>) offsets(%dma_start3A_38 : memref<128xi32, #tpu.memory_space<vmem>>) semaphore(%arg12 : memref<!tpu.dma_semaphore, #tpu.memory_space<semaphore_mem>>)
    %dma_start3A_41 = arith.constant 5 : i32
    %dma_start3A_42 = arith.constant 640 : i32
    %dma_start3A_43 = tpu.memref_slice %arg10[%dma_start3A_42] : memref<1024xf32, #tpu.memory_space<vmem>> -> memref<128xf32, #tpu.memory_space<vmem>>
    %dma_start3A_44 = arith.constant 0 : i32
    %dma_start3A_45 = tpu.memref_slice %arg9[%dma_start3A_41, %dma_start3A_44] : memref<8x128xi32, #tpu.memory_space<vmem>> -> memref<1x128xi32, #tpu.memory_space<vmem>>
    %dma_start3A_46 = tpu.memref_squeeze %dma_start3A_45 : memref<1x128xi32, #tpu.memory_space<vmem>> -> memref<128xi32, #tpu.memory_space<vmem>>
    %dma_start3A_47 = arith.constant 0 : i32
    %dma_start3A_48 = tpu.memref_slice %arg2[%dma_start3A_47] : memref<8388608xf32, #tpu.memory_space<hbm>> -> memref<8388608xf32, #tpu.memory_space<hbm>>
    tpu.enqueue_indirect_dma source(%dma_start3A_48 : memref<8388608xf32, #tpu.memory_space<hbm>>) target(%dma_start3A_43 : memref<128xf32, #tpu.memory_space<vmem>>) offsets(%dma_start3A_46 : memref<128xi32, #tpu.memory_space<vmem>>) semaphore(%arg12 : memref<!tpu.dma_semaphore, #tpu.memory_space<semaphore_mem>>)
    %scan3A_49 = arith.constant 0 : i32
    %scan3A_50 = arith.constant 16 : i32
    %scan3A_51 = arith.constant 16 : i32
    %scan3A_52 = arith.addi %scan3A_50, %scan3A_51 : i32
    %scan3A_53 = arith.constant 1 : i32
    scf.for %scan3A_206 = %scan3A_50 to %scan3A_52 step %scan3A_53  : i32 {
      %mul3A_207 = arith.constant 16 : i32
      %mul3A_208 = arith.muli %scan3A_206, %mul3A_207 : i32
      %multiple_of3A = tpu.assume_multiple %mul3A_208, 16 : i32
      %get3A = arith.index_cast %multiple_of3A : i32 to index
      %get3A_209 = tpu.vector_load %arg6[%get3A] {strides = array<i32>} : memref<512xi32, #tpu.memory_space<vmem>>, vector<16xi32>,
      %get3A_210 = vector.shape_cast %get3A_209 : vector<16xi32> to vector<16xi32>
      %and3A = arith.constant -4096 : i32
      %and3A_211 = vector.broadcast %and3A : i32 to vector<16xi32>
      %and3A_212 = arith.andi %get3A_210, %and3A_211 : vector<16xi32>
      %add3A = vector.broadcast %mul3A_11 : i32 to vector<16xi32>
      %add3A_213 = arith.addi %add3A, %and3A_212 : vector<16xi32>
      %and3A_214 = arith.constant 384 : i32
      %and3A_215 = vector.broadcast %and3A_214 : i32 to vector<16xi32>
      %and3A_216 = arith.andi %get3A_210, %and3A_215 : vector<16xi32>
      %shift_left3A = arith.constant 3 : i32
      %shift_left3A_217 = vector.broadcast %shift_left3A : i32 to vector<16xi32>
      %shift_left3A_218 = arith.shli %and3A_216, %shift_left3A_217 : vector<16xi32>
      %add3A_219 = arith.addi %add3A_213, %shift_left3A_218 : vector<16xi32>
      %and3A_220 = arith.constant 3584 : i32
      %and3A_221 = vector.broadcast %and3A_220 : i32 to vector<16xi32>
      %and3A_222 = arith.andi %get3A_210, %and3A_221 : vector<16xi32>
      %shift_right_arithmetic3A = arith.constant 2 : i32
      %shift_right_arithmetic3A_223 = vector.broadcast %shift_right_arithmetic3A : i32 to vector<16xi32>
      %shift_right_arithmetic3A_224 = arith.shrsi %and3A_222, %shift_right_arithmetic3A_223 : vector<16xi32>
      %add3A_225 = arith.addi %add3A_219, %shift_right_arithmetic3A_224 : vector<16xi32>
      %and3A_226 = arith.constant 127 : i32
      %and3A_227 = vector.broadcast %and3A_226 : i32 to vector<16xi32>
      %and3A_228 = arith.andi %get3A_210, %and3A_227 : vector<16xi32>
      %add3A_229 = arith.addi %add3A_225, %and3A_228 : vector<16xi32>
      %jit3A = arith.constant 8 : i32
      %div3A = arith.divsi %scan3A_206, %jit3A : i32
      %sign3A = arith.constant 0 : i32
      %sign3A_230 = arith.cmpi sgt, %scan3A_206, %sign3A : i32
      %sign3A_231 = arith.extui %sign3A_230 : i1 to i32
      %sign3A_232 = arith.constant 0 : i32
      %sign3A_233 = arith.cmpi slt, %scan3A_206, %sign3A_232 : i32
      %sign3A_234 = arith.extui %sign3A_233 : i1 to i32
      %sign3A_235 = arith.subi %sign3A_231, %sign3A_234 : i32
      %sign3A_236 = arith.constant 0 : i32
      %sign3A_237 = arith.cmpi sgt, %jit3A, %sign3A_236 : i32
      %sign3A_238 = arith.extui %sign3A_237 : i1 to i32
      %sign3A_239 = arith.constant 0 : i32
      %sign3A_240 = arith.cmpi slt, %jit3A, %sign3A_239 : i32
      %sign3A_241 = arith.extui %sign3A_240 : i1 to i32
      %sign3A_242 = arith.subi %sign3A_238, %sign3A_241 : i32
      %ne3A = arith.cmpi ne, %sign3A_235, %sign3A_242 : i32
      %rem3A = arith.remsi %scan3A_206, %jit3A : i32
      %ne3A_243 = arith.constant 0 : i32
      %ne3A_244 = arith.cmpi ne, %rem3A, %ne3A_243 : i32
      %and3A_245 = arith.andi %ne3A, %ne3A_244 : i1
      %sub3A = arith.constant 1 : i32
      %sub3A_246 = arith.subi %div3A, %sub3A : i32
      %select_n3A = arith.select %and3A_245, %sub3A_246, %div3A : i32
      %jit3A_247 = arith.constant 8 : i32
      %eq3A = arith.constant 0 : i32
      %eq3A_248 = arith.cmpi eq, %jit3A_247, %eq3A : i32
      %jit3A_249 = arith.constant 1 : i32
      %select_n3A_250 = arith.select %eq3A_248, %jit3A_249, %jit3A_247 : i32
      %rem3A_251 = arith.remsi %scan3A_206, %select_n3A_250 : i32
      %ne3A_252 = arith.constant 0 : i32
      %ne3A_253 = arith.cmpi ne, %rem3A_251, %ne3A_252 : i32
      %lt3A = arith.constant 0 : i32
      %lt3A_254 = arith.cmpi slt, %rem3A_251, %lt3A : i32
      %lt3A_255 = arith.constant 0 : i32
      %lt3A_256 = arith.cmpi slt, %select_n3A_250, %lt3A_255 : i32
      %ne3A_257 = arith.xori %lt3A_254, %lt3A_256 : i1
      %and3A_258 = arith.andi %ne3A_257, %ne3A_253 : i1
      %add3A_259 = arith.addi %rem3A_251, %select_n3A_250 : i32
      %select_n3A_260 = arith.select %and3A_258, %add3A_259, %rem3A_251 : i32
      %mul3A_261 = arith.constant 16 : i32
      %mul3A_262 = arith.muli %select_n3A_260, %mul3A_261 : i32
      %multiple_of3A_263 = tpu.assume_multiple %mul3A_262, 16 : i32
      %swap3A_264 = arith.index_cast %select_n3A : i32 to index
      %swap3A_265 = arith.index_cast %multiple_of3A_263 : i32 to index
      %swap3A_266 = tpu.vector_load %arg9[%swap3A_264, %swap3A_265] {strides = array<i32>} : memref<8x128xi32, #tpu.memory_space<vmem>>, vector<1x16xi32>,
      %swap3A_267 = vector.shape_cast %swap3A_266 : vector<1x16xi32> to vector<16xi32>
      %swap3A_268 = vector.shape_cast %add3A_229 : vector<16xi32> to vector<1x16xi32>
      tpu.vector_store %arg9[%swap3A_264, %swap3A_265], %swap3A_268 {strides = array<i32>} : memref<8x128xi32, #tpu.memory_space<vmem>>, vector<1x16xi32>,
      %add3A_269 = arith.constant 262144 : i32
      %add3A_270 = vector.broadcast %add3A_269 : i32 to vector<16xi32>
      %add3A_271 = arith.addi %add3A_229, %add3A_270 : vector<16xi32>
      %add3A_272 = arith.constant 4 : i32
      %add3A_273 = arith.addi %add3A_272, %select_n3A : i32
      %swap3A_274 = arith.index_cast %add3A_273 : i32 to index
      %swap3A_275 = arith.index_cast %multiple_of3A_263 : i32 to index
      %swap3A_276 = tpu.vector_load %arg9[%swap3A_274, %swap3A_275] {strides = array<i32>} : memref<8x128xi32, #tpu.memory_space<vmem>>, vector<1x16xi32>,
      %swap3A_277 = vector.shape_cast %swap3A_276 : vector<1x16xi32> to vector<16xi32>
      %swap3A_278 = vector.shape_cast %add3A_271 : vector<16xi32> to vector<1x16xi32>
      tpu.vector_store %arg9[%swap3A_274, %swap3A_275], %swap3A_278 {strides = array<i32>} : memref<8x128xi32, #tpu.memory_space<vmem>>, vector<1x16xi32>,
    }
    %scan3A_54 = arith.constant 16 : i32
    %dma_start3A_55 = arith.constant 2 : i32
    %dma_start3A_56 = arith.constant 256 : i32
    %dma_start3A_57 = tpu.memref_slice %arg10[%dma_start3A_56] : memref<1024xf32, #tpu.memory_space<vmem>> -> memref<128xf32, #tpu.memory_space<vmem>>
    %dma_start3A_58 = arith.constant 0 : i32
    %dma_start3A_59 = tpu.memref_slice %arg9[%dma_start3A_55, %dma_start3A_58] : memref<8x128xi32, #tpu.memory_space<vmem>> -> memref<1x128xi32, #tpu.memory_space<vmem>>
    %dma_start3A_60 = tpu.memref_squeeze %dma_start3A_59 : memref<1x128xi32, #tpu.memory_space<vmem>> -> memref<128xi32, #tpu.memory_space<vmem>>
    %dma_start3A_61 = arith.constant 0 : i32
    %dma_start3A_62 = tpu.memref_slice %arg2[%dma_start3A_61] : memref<8388608xf32, #tpu.memory_space<hbm>> -> memref<8388608xf32, #tpu.memory_space<hbm>>
    tpu.enqueue_indirect_dma source(%dma_start3A_62 : memref<8388608xf32, #tpu.memory_space<hbm>>) target(%dma_start3A_57 : memref<128xf32, #tpu.memory_space<vmem>>) offsets(%dma_start3A_60 : memref<128xi32, #tpu.memory_space<vmem>>) semaphore(%arg14 : memref<!tpu.dma_semaphore, #tpu.memory_space<semaphore_mem>>)
    %dma_start3A_63 = arith.constant 3 : i32
    %dma_start3A_64 = arith.constant 384 : i32
    %dma_start3A_65 = tpu.memref_slice %arg10[%dma_start3A_64] : memref<1024xf32, #tpu.memory_space<vmem>> -> memref<128xf32, #tpu.memory_space<vmem>>
    %dma_start3A_66 = arith.constant 0 : i32
    %dma_start3A_67 = tpu.memref_slice %arg9[%dma_start3A_63, %dma_start3A_66] : memref<8x128xi32, #tpu.memory_space<vmem>> -> memref<1x128xi32, #tpu.memory_space<vmem>>
    %dma_start3A_68 = tpu.memref_squeeze %dma_start3A_67 : memref<1x128xi32, #tpu.memory_space<vmem>> -> memref<128xi32, #tpu.memory_space<vmem>>
    %dma_start3A_69 = arith.constant 0 : i32
    %dma_start3A_70 = tpu.memref_slice %arg2[%dma_start3A_69] : memref<8388608xf32, #tpu.memory_space<hbm>> -> memref<8388608xf32, #tpu.memory_space<hbm>>
    tpu.enqueue_indirect_dma source(%dma_start3A_70 : memref<8388608xf32, #tpu.memory_space<hbm>>) target(%dma_start3A_65 : memref<128xf32, #tpu.memory_space<vmem>>) offsets(%dma_start3A_68 : memref<128xi32, #tpu.memory_space<vmem>>) semaphore(%arg14 : memref<!tpu.dma_semaphore, #tpu.memory_space<semaphore_mem>>)
    %dma_start3A_71 = arith.constant 6 : i32
    %dma_start3A_72 = arith.constant 768 : i32
    %dma_start3A_73 = tpu.memref_slice %arg10[%dma_start3A_72] : memref<1024xf32, #tpu.memory_space<vmem>> -> memref<128xf32, #tpu.memory_space<vmem>>
    %dma_start3A_74 = arith.constant 0 : i32
    %dma_start3A_75 = tpu.memref_slice %arg9[%dma_start3A_71, %dma_start3A_74] : memref<8x128xi32, #tpu.memory_space<vmem>> -> memref<1x128xi32, #tpu.memory_space<vmem>>
    %dma_start3A_76 = tpu.memref_squeeze %dma_start3A_75 : memref<1x128xi32, #tpu.memory_space<vmem>> -> memref<128xi32, #tpu.memory_space<vmem>>
    %dma_start3A_77 = arith.constant 0 : i32
    %dma_start3A_78 = tpu.memref_slice %arg2[%dma_start3A_77] : memref<8388608xf32, #tpu.memory_space<hbm>> -> memref<8388608xf32, #tpu.memory_space<hbm>>
    tpu.enqueue_indirect_dma source(%dma_start3A_78 : memref<8388608xf32, #tpu.memory_space<hbm>>) target(%dma_start3A_73 : memref<128xf32, #tpu.memory_space<vmem>>) offsets(%dma_start3A_76 : memref<128xi32, #tpu.memory_space<vmem>>) semaphore(%arg14 : memref<!tpu.dma_semaphore, #tpu.memory_space<semaphore_mem>>)
    %dma_start3A_79 = arith.constant 7 : i32
    %dma_start3A_80 = arith.constant 896 : i32
    %dma_start3A_81 = tpu.memref_slice %arg10[%dma_start3A_80] : memref<1024xf32, #tpu.memory_space<vmem>> -> memref<128xf32, #tpu.memory_space<vmem>>
    %dma_start3A_82 = arith.constant 0 : i32
    %dma_start3A_83 = tpu.memref_slice %arg9[%dma_start3A_79, %dma_start3A_82] : memref<8x128xi32, #tpu.memory_space<vmem>> -> memref<1x128xi32, #tpu.memory_space<vmem>>
    %dma_start3A_84 = tpu.memref_squeeze %dma_start3A_83 : memref<1x128xi32, #tpu.memory_space<vmem>> -> memref<128xi32, #tpu.memory_space<vmem>>
    %dma_start3A_85 = arith.constant 0 : i32
    %dma_start3A_86 = tpu.memref_slice %arg2[%dma_start3A_85] : memref<8388608xf32, #tpu.memory_space<hbm>> -> memref<8388608xf32, #tpu.memory_space<hbm>>
    tpu.enqueue_indirect_dma source(%dma_start3A_86 : memref<8388608xf32, #tpu.memory_space<hbm>>) target(%dma_start3A_81 : memref<128xf32, #tpu.memory_space<vmem>>) offsets(%dma_start3A_84 : memref<128xi32, #tpu.memory_space<vmem>>) semaphore(%arg14 : memref<!tpu.dma_semaphore, #tpu.memory_space<semaphore_mem>>)
    %dma_wait3A = arith.constant 0 : i32
    %dma_wait3A_87 = tpu.memref_slice %arg4[%arg1, %dma_wait3A] : memref<16x1536xf32, #tpu.memory_space<hbm>> -> memref<1x512xf32, #tpu.memory_space<hbm>>
    %dma_wait3A_88 = tpu.memref_squeeze %dma_wait3A_87 : memref<1x512xf32, #tpu.memory_space<hbm>> -> memref<512xf32, #tpu.memory_space<hbm>>
    %dma_wait3A_89 = arith.constant 0 : i32
    %dma_wait3A_90 = tpu.memref_slice %arg4[%arg1, %dma_wait3A_89] : memref<16x1536xf32, #tpu.memory_space<hbm>> -> memref<1x512xf32, #tpu.memory_space<hbm>>
    %dma_wait3A_91 = tpu.memref_squeeze %dma_wait3A_90 : memref<1x512xf32, #tpu.memory_space<hbm>> -> memref<512xf32, #tpu.memory_space<hbm>>
    tpu.wait_dma2 semaphore(%arg13 : memref<!tpu.dma_semaphore, #tpu.memory_space<semaphore_mem>>) src(%dma_wait3A_91 : memref<512xf32, #tpu.memory_space<hbm>>) dst(%arg7 : memref<512xf32, #tpu.memory_space<vmem>>)
    %dma_wait3A_92 = arith.constant 512 : i32
    %dma_wait3A_93 = tpu.memref_slice %arg4[%arg1, %dma_wait3A_92] : memref<16x1536xf32, #tpu.memory_space<hbm>> -> memref<1x1024xf32, #tpu.memory_space<hbm>>
    %dma_wait3A_94 = tpu.memref_squeeze %dma_wait3A_93 : memref<1x1024xf32, #tpu.memory_space<hbm>> -> memref<1024xf32, #tpu.memory_space<hbm>>
    %dma_wait3A_95 = arith.constant 512 : i32
    %dma_wait3A_96 = tpu.memref_slice %arg4[%arg1, %dma_wait3A_95] : memref<16x1536xf32, #tpu.memory_space<hbm>> -> memref<1x1024xf32, #tpu.memory_space<hbm>>
    %dma_wait3A_97 = tpu.memref_squeeze %dma_wait3A_96 : memref<1x1024xf32, #tpu.memory_space<hbm>> -> memref<1024xf32, #tpu.memory_space<hbm>>
    tpu.wait_dma2 semaphore(%arg13 : memref<!tpu.dma_semaphore, #tpu.memory_space<semaphore_mem>>) src(%dma_wait3A_97 : memref<1024xf32, #tpu.memory_space<hbm>>) dst(%arg8 : memref<1024xf32, #tpu.memory_space<vmem>>)
    %broadcast_in_dim3A = arith.constant 0.000000e+00 : f32
    %broadcast_in_dim3A_98 = vector.broadcast %broadcast_in_dim3A : f32 to vector<16xf32>
    %dma_wait3A_99 = arith.constant 0 : i32
    %dma_wait3A_100 = arith.constant 0 : i32
    %dma_wait3A_101 = tpu.memref_slice %arg10[%dma_wait3A_100] : memref<1024xf32, #tpu.memory_space<vmem>> -> memref<128xf32, #tpu.memory_space<vmem>>
    %dma_wait3A_102 = arith.constant 0 : i32
    %dma_wait3A_103 = tpu.memref_slice %arg9[%dma_wait3A_99, %dma_wait3A_102] : memref<8x128xi32, #tpu.memory_space<vmem>> -> memref<1x128xi32, #tpu.memory_space<vmem>>
    %dma_wait3A_104 = tpu.memref_squeeze %dma_wait3A_103 : memref<1x128xi32, #tpu.memory_space<vmem>> -> memref<128xi32, #tpu.memory_space<vmem>>
    %dma_wait3A_105 = arith.constant 0 : i32
    %dma_wait3A_106 = tpu.memref_slice %arg2[%dma_wait3A_105] : memref<8388608xf32, #tpu.memory_space<hbm>> -> memref<8388608xf32, #tpu.memory_space<hbm>>
    tpu.wait_indirect_dma semaphore(%arg12 : memref<!tpu.dma_semaphore, #tpu.memory_space<semaphore_mem>>) src(%dma_wait3A_106 : memref<8388608xf32, #tpu.memory_space<hbm>>) dst(%dma_wait3A_101 : memref<128xf32, #tpu.memory_space<vmem>>)
    %dma_wait3A_107 = arith.constant 1 : i32
    %dma_wait3A_108 = arith.constant 128 : i32
    %dma_wait3A_109 = tpu.memref_slice %arg10[%dma_wait3A_108] : memref<1024xf32, #tpu.memory_space<vmem>> -> memref<128xf32, #tpu.memory_space<vmem>>
    %dma_wait3A_110 = arith.constant 0 : i32
    %dma_wait3A_111 = tpu.memref_slice %arg9[%dma_wait3A_107, %dma_wait3A_110] : memref<8x128xi32, #tpu.memory_space<vmem>> -> memref<1x128xi32, #tpu.memory_space<vmem>>
    %dma_wait3A_112 = tpu.memref_squeeze %dma_wait3A_111 : memref<1x128xi32, #tpu.memory_space<vmem>> -> memref<128xi32, #tpu.memory_space<vmem>>
    %dma_wait3A_113 = arith.constant 0 : i32
    %dma_wait3A_114 = tpu.memref_slice %arg2[%dma_wait3A_113] : memref<8388608xf32, #tpu.memory_space<hbm>> -> memref<8388608xf32, #tpu.memory_space<hbm>>
    tpu.wait_indirect_dma semaphore(%arg12 : memref<!tpu.dma_semaphore, #tpu.memory_space<semaphore_mem>>) src(%dma_wait3A_114 : memref<8388608xf32, #tpu.memory_space<hbm>>) dst(%dma_wait3A_109 : memref<128xf32, #tpu.memory_space<vmem>>)
    %dma_wait3A_115 = arith.constant 4 : i32
    %dma_wait3A_116 = arith.constant 512 : i32
    %dma_wait3A_117 = tpu.memref_slice %arg10[%dma_wait3A_116] : memref<1024xf32, #tpu.memory_space<vmem>> -> memref<128xf32, #tpu.memory_space<vmem>>
    %dma_wait3A_118 = arith.constant 0 : i32
    %dma_wait3A_119 = tpu.memref_slice %arg9[%dma_wait3A_115, %dma_wait3A_118] : memref<8x128xi32, #tpu.memory_space<vmem>> -> memref<1x128xi32, #tpu.memory_space<vmem>>
    %dma_wait3A_120 = tpu.memref_squeeze %dma_wait3A_119 : memref<1x128xi32, #tpu.memory_space<vmem>> -> memref<128xi32, #tpu.memory_space<vmem>>
    %dma_wait3A_121 = arith.constant 0 : i32
    %dma_wait3A_122 = tpu.memref_slice %arg2[%dma_wait3A_121] : memref<8388608xf32, #tpu.memory_space<hbm>> -> memref<8388608xf32, #tpu.memory_space<hbm>>
    tpu.wait_indirect_dma semaphore(%arg12 : memref<!tpu.dma_semaphore, #tpu.memory_space<semaphore_mem>>) src(%dma_wait3A_122 : memref<8388608xf32, #tpu.memory_space<hbm>>) dst(%dma_wait3A_117 : memref<128xf32, #tpu.memory_space<vmem>>)
    %dma_wait3A_123 = arith.constant 5 : i32
    %dma_wait3A_124 = arith.constant 640 : i32
    %dma_wait3A_125 = tpu.memref_slice %arg10[%dma_wait3A_124] : memref<1024xf32, #tpu.memory_space<vmem>> -> memref<128xf32, #tpu.memory_space<vmem>>
    %dma_wait3A_126 = arith.constant 0 : i32
    %dma_wait3A_127 = tpu.memref_slice %arg9[%dma_wait3A_123, %dma_wait3A_126] : memref<8x128xi32, #tpu.memory_space<vmem>> -> memref<1x128xi32, #tpu.memory_space<vmem>>
    %dma_wait3A_128 = tpu.memref_squeeze %dma_wait3A_127 : memref<1x128xi32, #tpu.memory_space<vmem>> -> memref<128xi32, #tpu.memory_space<vmem>>
    %dma_wait3A_129 = arith.constant 0 : i32
    %dma_wait3A_130 = tpu.memref_slice %arg2[%dma_wait3A_129] : memref<8388608xf32, #tpu.memory_space<hbm>> -> memref<8388608xf32, #tpu.memory_space<hbm>>
    tpu.wait_indirect_dma semaphore(%arg12 : memref<!tpu.dma_semaphore, #tpu.memory_space<semaphore_mem>>) src(%dma_wait3A_130 : memref<8388608xf32, #tpu.memory_space<hbm>>) dst(%dma_wait3A_125 : memref<128xf32, #tpu.memory_space<vmem>>)
    %scan3A_131 = arith.constant 0 : i32
    %scan3A_132 = arith.constant 16 : i32
    %scan3A_133 = arith.addi %scan3A_131, %scan3A_132 : i32
    %scan3A_134 = arith.constant 1 : i32
    %scan3A_135:2 = scf.for %scan3A_206 = %scan3A_131 to %scan3A_133 step %scan3A_134 iter_args(%scan3A_207 = %broadcast_in_dim3A_98, %scan3A_208 = %broadcast_in_dim3A_98) -> (vector<16xf32>, vector<16xf32>)  : i32 {
      %mul3A_209 = arith.constant 16 : i32
      %mul3A_210 = arith.muli %scan3A_206, %mul3A_209 : i32
      %multiple_of3A = tpu.assume_multiple %mul3A_210, 16 : i32
      %get3A = arith.index_cast %multiple_of3A : i32 to index
      %get3A_211 = tpu.vector_load %arg10[%get3A] {strides = array<i32>} : memref<1024xf32, #tpu.memory_space<vmem>>, vector<16xf32>,
      %get3A_212 = vector.shape_cast %get3A_211 : vector<16xf32> to vector<16xf32>
      %mul3A_213 = arith.constant 16 : i32
      %mul3A_214 = arith.muli %scan3A_206, %mul3A_213 : i32
      %add3A = arith.constant 512 : i32
      %add3A_215 = arith.addi %mul3A_214, %add3A : i32
      %multiple_of3A_216 = tpu.assume_multiple %add3A_215, 16 : i32
      %get3A_217 = arith.index_cast %multiple_of3A_216 : i32 to index
      %get3A_218 = tpu.vector_load %arg10[%get3A_217] {strides = array<i32>} : memref<1024xf32, #tpu.memory_space<vmem>>, vector<16xf32>,
      %get3A_219 = vector.shape_cast %get3A_218 : vector<16xf32> to vector<16xf32>
      %get3A_220 = arith.index_cast %multiple_of3A : i32 to index
      %get3A_221 = tpu.vector_load %arg7[%get3A_220] {strides = array<i32>} : memref<512xf32, #tpu.memory_space<vmem>>, vector<16xf32>,
      %get3A_222 = vector.shape_cast %get3A_221 : vector<16xf32> to vector<16xf32>
      %shift_right_arithmetic3A = arith.constant 3 : i32
      %shift_right_arithmetic3A_223 = arith.shrsi %scan3A_206, %shift_right_arithmetic3A : i32
      %mul3A_224 = arith.constant 256 : i32
      %mul3A_225 = arith.muli %shift_right_arithmetic3A_223, %mul3A_224 : i32
      %and3A = arith.constant 7 : i32
      %and3A_226 = arith.andi %scan3A_206, %and3A : i32
      %mul3A_227 = arith.constant 16 : i32
      %mul3A_228 = arith.muli %and3A_226, %mul3A_227 : i32
      %add3A_229 = arith.addi %mul3A_225, %mul3A_228 : i32
      %multiple_of3A_230 = tpu.assume_multiple %add3A_229, 16 : i32
      %get3A_231 = arith.index_cast %multiple_of3A_230 : i32 to index
      %get3A_232 = tpu.vector_load %arg8[%get3A_231] {strides = array<i32>} : memref<1024xf32, #tpu.memory_space<vmem>>, vector<16xf32>,
      %get3A_233 = vector.shape_cast %get3A_232 : vector<16xf32> to vector<16xf32>
      %add3A_234 = arith.constant 128 : i32
      %add3A_235 = arith.addi %add3A_229, %add3A_234 : i32
      %multiple_of3A_236 = tpu.assume_multiple %add3A_235, 16 : i32
      %get3A_237 = arith.index_cast %multiple_of3A_236 : i32 to index
      %get3A_238 = tpu.vector_load %arg8[%get3A_237] {strides = array<i32>} : memref<1024xf32, #tpu.memory_space<vmem>>, vector<16xf32>,
      %get3A_239 = vector.shape_cast %get3A_238 : vector<16xf32> to vector<16xf32>
      %sub3A = arith.subf %get3A_212, %get3A_233 : vector<16xf32>
      %mul3A_240 = arith.mulf %sub3A, %get3A_222 : vector<16xf32>
      %sub3A_241 = arith.subf %get3A_219, %get3A_239 : vector<16xf32>
      %mul3A_242 = arith.mulf %sub3A_241, %get3A_222 : vector<16xf32>
      %abs3A = math.absf %mul3A_240 : vector<16xf32>
      %abs3A_243 = math.absf %mul3A_242 : vector<16xf32>
      %lt3A = arith.constant 1.000000e+00 : f32
      %lt3A_244 = vector.broadcast %lt3A : f32 to vector<16xf32>
      %lt3A_245 = arith.cmpf olt, %abs3A, %lt3A_244 : vector<16xf32>
      %mul3A_246 = arith.constant 5.000000e-01 : f32
      %mul3A_247 = vector.broadcast %mul3A_246 : f32 to vector<16xf32>
      %mul3A_248 = arith.mulf %mul3A_247, %mul3A_240 : vector<16xf32>
      %mul3A_249 = arith.mulf %mul3A_248, %mul3A_240 : vector<16xf32>
      %sub3A_250 = arith.constant 5.000000e-01 : f32
      %sub3A_251 = vector.broadcast %sub3A_250 : f32 to vector<16xf32>
      %sub3A_252 = arith.subf %abs3A, %sub3A_251 : vector<16xf32>
      %select_n3A = arith.select %lt3A_245, %mul3A_249, %sub3A_252 : vector<16xi1>, vector<16xf32>
      %lt3A_253 = arith.constant 1.000000e+00 : f32
      %lt3A_254 = vector.broadcast %lt3A_253 : f32 to vector<16xf32>
      %lt3A_255 = arith.cmpf olt, %abs3A_243, %lt3A_254 : vector<16xf32>
      %mul3A_256 = arith.constant 5.000000e-01 : f32
      %mul3A_257 = vector.broadcast %mul3A_256 : f32 to vector<16xf32>
      %mul3A_258 = arith.mulf %mul3A_257, %mul3A_242 : vector<16xf32>
      %mul3A_259 = arith.mulf %mul3A_258, %mul3A_242 : vector<16xf32>
      %sub3A_260 = arith.constant 5.000000e-01 : f32
      %sub3A_261 = vector.broadcast %sub3A_260 : f32 to vector<16xf32>
      %sub3A_262 = arith.subf %abs3A_243, %sub3A_261 : vector<16xf32>
      %select_n3A_263 = arith.select %lt3A_255, %mul3A_259, %sub3A_262 : vector<16xi1>, vector<16xf32>
      %add3A_264 = arith.addf %scan3A_207, %select_n3A : vector<16xf32>
      %add3A_265 = arith.addf %add3A_264, %select_n3A_263 : vector<16xf32>
      %add3A_266 = arith.addf %scan3A_208, %get3A_222 : vector<16xf32>
      scf.yield %add3A_265, %add3A_266 : vector<16xf32>, vector<16xf32>
    }
    %scan3A_136 = arith.constant 16 : i32
    %dma_wait3A_137 = arith.constant 2 : i32
    %dma_wait3A_138 = arith.constant 256 : i32
    %dma_wait3A_139 = tpu.memref_slice %arg10[%dma_wait3A_138] : memref<1024xf32, #tpu.memory_space<vmem>> -> memref<128xf32, #tpu.memory_space<vmem>>
    %dma_wait3A_140 = arith.constant 0 : i32
    %dma_wait3A_141 = tpu.memref_slice %arg9[%dma_wait3A_137, %dma_wait3A_140] : memref<8x128xi32, #tpu.memory_space<vmem>> -> memref<1x128xi32, #tpu.memory_space<vmem>>
    %dma_wait3A_142 = tpu.memref_squeeze %dma_wait3A_141 : memref<1x128xi32, #tpu.memory_space<vmem>> -> memref<128xi32, #tpu.memory_space<vmem>>
    %dma_wait3A_143 = arith.constant 0 : i32
    %dma_wait3A_144 = tpu.memref_slice %arg2[%dma_wait3A_143] : memref<8388608xf32, #tpu.memory_space<hbm>> -> memref<8388608xf32, #tpu.memory_space<hbm>>
    tpu.wait_indirect_dma semaphore(%arg14 : memref<!tpu.dma_semaphore, #tpu.memory_space<semaphore_mem>>) src(%dma_wait3A_144 : memref<8388608xf32, #tpu.memory_space<hbm>>) dst(%dma_wait3A_139 : memref<128xf32, #tpu.memory_space<vmem>>)
    %dma_wait3A_145 = arith.constant 3 : i32
    %dma_wait3A_146 = arith.constant 384 : i32
    %dma_wait3A_147 = tpu.memref_slice %arg10[%dma_wait3A_146] : memref<1024xf32, #tpu.memory_space<vmem>> -> memref<128xf32, #tpu.memory_space<vmem>>
    %dma_wait3A_148 = arith.constant 0 : i32
    %dma_wait3A_149 = tpu.memref_slice %arg9[%dma_wait3A_145, %dma_wait3A_148] : memref<8x128xi32, #tpu.memory_space<vmem>> -> memref<1x128xi32, #tpu.memory_space<vmem>>
    %dma_wait3A_150 = tpu.memref_squeeze %dma_wait3A_149 : memref<1x128xi32, #tpu.memory_space<vmem>> -> memref<128xi32, #tpu.memory_space<vmem>>
    %dma_wait3A_151 = arith.constant 0 : i32
    %dma_wait3A_152 = tpu.memref_slice %arg2[%dma_wait3A_151] : memref<8388608xf32, #tpu.memory_space<hbm>> -> memref<8388608xf32, #tpu.memory_space<hbm>>
    tpu.wait_indirect_dma semaphore(%arg14 : memref<!tpu.dma_semaphore, #tpu.memory_space<semaphore_mem>>) src(%dma_wait3A_152 : memref<8388608xf32, #tpu.memory_space<hbm>>) dst(%dma_wait3A_147 : memref<128xf32, #tpu.memory_space<vmem>>)
    %dma_wait3A_153 = arith.constant 6 : i32
    %dma_wait3A_154 = arith.constant 768 : i32
    %dma_wait3A_155 = tpu.memref_slice %arg10[%dma_wait3A_154] : memref<1024xf32, #tpu.memory_space<vmem>> -> memref<128xf32, #tpu.memory_space<vmem>>
    %dma_wait3A_156 = arith.constant 0 : i32
    %dma_wait3A_157 = tpu.memref_slice %arg9[%dma_wait3A_153, %dma_wait3A_156] : memref<8x128xi32, #tpu.memory_space<vmem>> -> memref<1x128xi32, #tpu.memory_space<vmem>>
    %dma_wait3A_158 = tpu.memref_squeeze %dma_wait3A_157 : memref<1x128xi32, #tpu.memory_space<vmem>> -> memref<128xi32, #tpu.memory_space<vmem>>
    %dma_wait3A_159 = arith.constant 0 : i32
    %dma_wait3A_160 = tpu.memref_slice %arg2[%dma_wait3A_159] : memref<8388608xf32, #tpu.memory_space<hbm>> -> memref<8388608xf32, #tpu.memory_space<hbm>>
    tpu.wait_indirect_dma semaphore(%arg14 : memref<!tpu.dma_semaphore, #tpu.memory_space<semaphore_mem>>) src(%dma_wait3A_160 : memref<8388608xf32, #tpu.memory_space<hbm>>) dst(%dma_wait3A_155 : memref<128xf32, #tpu.memory_space<vmem>>)
    %dma_wait3A_161 = arith.constant 7 : i32
    %dma_wait3A_162 = arith.constant 896 : i32
    %dma_wait3A_163 = tpu.memref_slice %arg10[%dma_wait3A_162] : memref<1024xf32, #tpu.memory_space<vmem>> -> memref<128xf32, #tpu.memory_space<vmem>>
    %dma_wait3A_164 = arith.constant 0 : i32
    %dma_wait3A_165 = tpu.memref_slice %arg9[%dma_wait3A_161, %dma_wait3A_164] : memref<8x128xi32, #tpu.memory_space<vmem>> -> memref<1x128xi32, #tpu.memory_space<vmem>>
    %dma_wait3A_166 = tpu.memref_squeeze %dma_wait3A_165 : memref<1x128xi32, #tpu.memory_space<vmem>> -> memref<128xi32, #tpu.memory_space<vmem>>
    %dma_wait3A_167 = arith.constant 0 : i32
    %dma_wait3A_168 = tpu.memref_slice %arg2[%dma_wait3A_167] : memref<8388608xf32, #tpu.memory_space<hbm>> -> memref<8388608xf32, #tpu.memory_space<hbm>>
    tpu.wait_indirect_dma semaphore(%arg14 : memref<!tpu.dma_semaphore, #tpu.memory_space<semaphore_mem>>) src(%dma_wait3A_168 : memref<8388608xf32, #tpu.memory_space<hbm>>) dst(%dma_wait3A_163 : memref<128xf32, #tpu.memory_space<vmem>>)
    %scan3A_169 = arith.constant 16 : i32
    %scan3A_170 = arith.constant 16 : i32
    %scan3A_171 = arith.addi %scan3A_169, %scan3A_170 : i32
    %scan3A_172 = arith.constant 1 : i32
    %scan3A_173:2 = scf.for %scan3A_206 = %scan3A_169 to %scan3A_171 step %scan3A_172 iter_args(%scan3A_207 = %scan3A_135#0, %scan3A_208 = %scan3A_135#1) -> (vector<16xf32>, vector<16xf32>)  : i32 {
      %mul3A_209 = arith.constant 16 : i32
      %mul3A_210 = arith.muli %scan3A_206, %mul3A_209 : i32
      %multiple_of3A = tpu.assume_multiple %mul3A_210, 16 : i32
      %get3A = arith.index_cast %multiple_of3A : i32 to index
      %get3A_211 = tpu.vector_load %arg10[%get3A] {strides = array<i32>} : memref<1024xf32, #tpu.memory_space<vmem>>, vector<16xf32>,
      %get3A_212 = vector.shape_cast %get3A_211 : vector<16xf32> to vector<16xf32>
      %mul3A_213 = arith.constant 16 : i32
      %mul3A_214 = arith.muli %scan3A_206, %mul3A_213 : i32
      %add3A = arith.constant 512 : i32
      %add3A_215 = arith.addi %mul3A_214, %add3A : i32
      %multiple_of3A_216 = tpu.assume_multiple %add3A_215, 16 : i32
      %get3A_217 = arith.index_cast %multiple_of3A_216 : i32 to index
      %get3A_218 = tpu.vector_load %arg10[%get3A_217] {strides = array<i32>} : memref<1024xf32, #tpu.memory_space<vmem>>, vector<16xf32>,
      %get3A_219 = vector.shape_cast %get3A_218 : vector<16xf32> to vector<16xf32>
      %get3A_220 = arith.index_cast %multiple_of3A : i32 to index
      %get3A_221 = tpu.vector_load %arg7[%get3A_220] {strides = array<i32>} : memref<512xf32, #tpu.memory_space<vmem>>, vector<16xf32>,
      %get3A_222 = vector.shape_cast %get3A_221 : vector<16xf32> to vector<16xf32>
      %shift_right_arithmetic3A = arith.constant 3 : i32
      %shift_right_arithmetic3A_223 = arith.shrsi %scan3A_206, %shift_right_arithmetic3A : i32
      %mul3A_224 = arith.constant 256 : i32
      %mul3A_225 = arith.muli %shift_right_arithmetic3A_223, %mul3A_224 : i32
      %and3A = arith.constant 7 : i32
      %and3A_226 = arith.andi %scan3A_206, %and3A : i32
      %mul3A_227 = arith.constant 16 : i32
      %mul3A_228 = arith.muli %and3A_226, %mul3A_227 : i32
      %add3A_229 = arith.addi %mul3A_225, %mul3A_228 : i32
      %multiple_of3A_230 = tpu.assume_multiple %add3A_229, 16 : i32
      %get3A_231 = arith.index_cast %multiple_of3A_230 : i32 to index
      %get3A_232 = tpu.vector_load %arg8[%get3A_231] {strides = array<i32>} : memref<1024xf32, #tpu.memory_space<vmem>>, vector<16xf32>,
      %get3A_233 = vector.shape_cast %get3A_232 : vector<16xf32> to vector<16xf32>
      %add3A_234 = arith.constant 128 : i32
      %add3A_235 = arith.addi %add3A_229, %add3A_234 : i32
      %multiple_of3A_236 = tpu.assume_multiple %add3A_235, 16 : i32
      %get3A_237 = arith.index_cast %multiple_of3A_236 : i32 to index
      %get3A_238 = tpu.vector_load %arg8[%get3A_237] {strides = array<i32>} : memref<1024xf32, #tpu.memory_space<vmem>>, vector<16xf32>,
      %get3A_239 = vector.shape_cast %get3A_238 : vector<16xf32> to vector<16xf32>
      %sub3A = arith.subf %get3A_212, %get3A_233 : vector<16xf32>
      %mul3A_240 = arith.mulf %sub3A, %get3A_222 : vector<16xf32>
      %sub3A_241 = arith.subf %get3A_219, %get3A_239 : vector<16xf32>
      %mul3A_242 = arith.mulf %sub3A_241, %get3A_222 : vector<16xf32>
      %abs3A = math.absf %mul3A_240 : vector<16xf32>
      %abs3A_243 = math.absf %mul3A_242 : vector<16xf32>
      %lt3A = arith.constant 1.000000e+00 : f32
      %lt3A_244 = vector.broadcast %lt3A : f32 to vector<16xf32>
      %lt3A_245 = arith.cmpf olt, %abs3A, %lt3A_244 : vector<16xf32>
      %mul3A_246 = arith.constant 5.000000e-01 : f32
      %mul3A_247 = vector.broadcast %mul3A_246 : f32 to vector<16xf32>
      %mul3A_248 = arith.mulf %mul3A_247, %mul3A_240 : vector<16xf32>
      %mul3A_249 = arith.mulf %mul3A_248, %mul3A_240 : vector<16xf32>
      %sub3A_250 = arith.constant 5.000000e-01 : f32
      %sub3A_251 = vector.broadcast %sub3A_250 : f32 to vector<16xf32>
      %sub3A_252 = arith.subf %abs3A, %sub3A_251 : vector<16xf32>
      %select_n3A = arith.select %lt3A_245, %mul3A_249, %sub3A_252 : vector<16xi1>, vector<16xf32>
      %lt3A_253 = arith.constant 1.000000e+00 : f32
      %lt3A_254 = vector.broadcast %lt3A_253 : f32 to vector<16xf32>
      %lt3A_255 = arith.cmpf olt, %abs3A_243, %lt3A_254 : vector<16xf32>
      %mul3A_256 = arith.constant 5.000000e-01 : f32
      %mul3A_257 = vector.broadcast %mul3A_256 : f32 to vector<16xf32>
      %mul3A_258 = arith.mulf %mul3A_257, %mul3A_242 : vector<16xf32>
      %mul3A_259 = arith.mulf %mul3A_258, %mul3A_242 : vector<16xf32>
      %sub3A_260 = arith.constant 5.000000e-01 : f32
      %sub3A_261 = vector.broadcast %sub3A_260 : f32 to vector<16xf32>
      %sub3A_262 = arith.subf %abs3A_243, %sub3A_261 : vector<16xf32>
      %select_n3A_263 = arith.select %lt3A_255, %mul3A_259, %sub3A_262 : vector<16xi1>, vector<16xf32>
      %add3A_264 = arith.addf %scan3A_207, %select_n3A : vector<16xf32>
      %add3A_265 = arith.addf %add3A_264, %select_n3A_263 : vector<16xf32>
      %add3A_266 = arith.addf %scan3A_208, %get3A_222 : vector<16xf32>
      scf.yield %add3A_265, %add3A_266 : vector<16xf32>, vector<16xf32>
    }
    %scan3A_174 = arith.constant 16 : i32
    %swap3A = arith.constant 0 : index
    %swap3A_175 = tpu.vector_load %arg11[%swap3A] {strides = array<i32>} : memref<128xf32, #tpu.memory_space<vmem>>, vector<16xf32>,
    %swap3A_176 = vector.shape_cast %swap3A_175 : vector<16xf32> to vector<16xf32>
    %swap3A_177 = vector.shape_cast %scan3A_173#0 : vector<16xf32> to vector<16xf32>
    tpu.vector_store %arg11[%swap3A], %swap3A_177 {strides = array<i32>} : memref<128xf32, #tpu.memory_space<vmem>>, vector<16xf32>,
    %swap3A_178 = arith.constant 16 : index
    %swap3A_179 = tpu.vector_load %arg11[%swap3A_178] {strides = array<i32>} : memref<128xf32, #tpu.memory_space<vmem>>, vector<16xf32>,
    %swap3A_180 = vector.shape_cast %swap3A_179 : vector<16xf32> to vector<16xf32>
    %swap3A_181 = vector.shape_cast %scan3A_173#1 : vector<16xf32> to vector<16xf32>
    tpu.vector_store %arg11[%swap3A_178], %swap3A_181 {strides = array<i32>} : memref<128xf32, #tpu.memory_space<vmem>>, vector<16xf32>,
    %swap3A_182 = arith.constant 32 : index
    %swap3A_183 = tpu.vector_load %arg11[%swap3A_182] {strides = array<i32>} : memref<128xf32, #tpu.memory_space<vmem>>, vector<16xf32>,
    %swap3A_184 = vector.shape_cast %swap3A_183 : vector<16xf32> to vector<16xf32>
    %swap3A_185 = vector.shape_cast %broadcast_in_dim3A_98 : vector<16xf32> to vector<16xf32>
    tpu.vector_store %arg11[%swap3A_182], %swap3A_185 {strides = array<i32>} : memref<128xf32, #tpu.memory_space<vmem>>, vector<16xf32>,
    %swap3A_186 = arith.constant 48 : index
    %swap3A_187 = tpu.vector_load %arg11[%swap3A_186] {strides = array<i32>} : memref<128xf32, #tpu.memory_space<vmem>>, vector<16xf32>,
    %swap3A_188 = vector.shape_cast %swap3A_187 : vector<16xf32> to vector<16xf32>
    %swap3A_189 = vector.shape_cast %broadcast_in_dim3A_98 : vector<16xf32> to vector<16xf32>
    tpu.vector_store %arg11[%swap3A_186], %swap3A_189 {strides = array<i32>} : memref<128xf32, #tpu.memory_space<vmem>>, vector<16xf32>,
    %swap3A_190 = arith.constant 64 : index
    %swap3A_191 = tpu.vector_load %arg11[%swap3A_190] {strides = array<i32>} : memref<128xf32, #tpu.memory_space<vmem>>, vector<16xf32>,
    %swap3A_192 = vector.shape_cast %swap3A_191 : vector<16xf32> to vector<16xf32>
    %swap3A_193 = vector.shape_cast %broadcast_in_dim3A_98 : vector<16xf32> to vector<16xf32>
    tpu.vector_store %arg11[%swap3A_190], %swap3A_193 {strides = array<i32>} : memref<128xf32, #tpu.memory_space<vmem>>, vector<16xf32>,
    %swap3A_194 = arith.constant 80 : index
    %swap3A_195 = tpu.vector_load %arg11[%swap3A_194] {strides = array<i32>} : memref<128xf32, #tpu.memory_space<vmem>>, vector<16xf32>,
    %swap3A_196 = vector.shape_cast %swap3A_195 : vector<16xf32> to vector<16xf32>
    %swap3A_197 = vector.shape_cast %broadcast_in_dim3A_98 : vector<16xf32> to vector<16xf32>
    tpu.vector_store %arg11[%swap3A_194], %swap3A_197 {strides = array<i32>} : memref<128xf32, #tpu.memory_space<vmem>>, vector<16xf32>,
    %swap3A_198 = arith.constant 96 : index
    %swap3A_199 = tpu.vector_load %arg11[%swap3A_198] {strides = array<i32>} : memref<128xf32, #tpu.memory_space<vmem>>, vector<16xf32>,
    %swap3A_200 = vector.shape_cast %swap3A_199 : vector<16xf32> to vector<16xf32>
    %swap3A_201 = vector.shape_cast %broadcast_in_dim3A_98 : vector<16xf32> to vector<16xf32>
    tpu.vector_store %arg11[%swap3A_198], %swap3A_201 {strides = array<i32>} : memref<128xf32, #tpu.memory_space<vmem>>, vector<16xf32>,
    %swap3A_202 = arith.constant 112 : index
    %swap3A_203 = tpu.vector_load %arg11[%swap3A_202] {strides = array<i32>} : memref<128xf32, #tpu.memory_space<vmem>>, vector<16xf32>,
    %swap3A_204 = vector.shape_cast %swap3A_203 : vector<16xf32> to vector<16xf32>
    %swap3A_205 = vector.shape_cast %broadcast_in_dim3A_98 : vector<16xf32> to vector<16xf32>
    tpu.vector_store %arg11[%swap3A_202], %swap3A_205 {strides = array<i32>} : memref<128xf32, #tpu.memory_space<vmem>>, vector<16xf32>,
    "tpu.region"() ({
      %run_scoped3A = tpu.sem_alloc : memref<!tpu.dma_semaphore, #tpu.memory_space<semaphore_mem>>
      %dma_start3A_206 = arith.constant 0 : i32
      %dma_start3A_207 = tpu.memref_slice %arg5[%arg1, %dma_start3A_206] : memref<16x128xf32, #tpu.memory_space<hbm>> -> memref<1x128xf32, #tpu.memory_space<hbm>>
      %dma_start3A_208 = tpu.memref_squeeze %dma_start3A_207 : memref<1x128xf32, #tpu.memory_space<hbm>> -> memref<128xf32, #tpu.memory_space<hbm>>
      %dma_start3A_209 = arith.constant 0 : i32
      %dma_start3A_210 = tpu.memref_slice %arg5[%arg1, %dma_start3A_209] : memref<16x128xf32, #tpu.memory_space<hbm>> -> memref<1x128xf32, #tpu.memory_space<hbm>>
      %dma_start3A_211 = tpu.memref_squeeze %dma_start3A_210 : memref<1x128xf32, #tpu.memory_space<hbm>> -> memref<128xf32, #tpu.memory_space<hbm>>
      tpu.enqueue_dma source(%arg11 : memref<128xf32, #tpu.memory_space<vmem>>) target(%dma_start3A_211 : memref<128xf32, #tpu.memory_space<hbm>>) target_semaphore(%run_scoped3A : memref<!tpu.dma_semaphore, #tpu.memory_space<semaphore_mem>>)
      %dma_wait3A_212 = arith.constant 0 : i32
      %dma_wait3A_213 = tpu.memref_slice %arg5[%arg1, %dma_wait3A_212] : memref<16x128xf32, #tpu.memory_space<hbm>> -> memref<1x128xf32, #tpu.memory_space<hbm>>
      %dma_wait3A_214 = tpu.memref_squeeze %dma_wait3A_213 : memref<1x128xf32, #tpu.memory_space<hbm>> -> memref<128xf32, #tpu.memory_space<hbm>>
      %dma_wait3A_215 = arith.constant 0 : i32
      %dma_wait3A_216 = tpu.memref_slice %arg5[%arg1, %dma_wait3A_215] : memref<16x128xf32, #tpu.memory_space<hbm>> -> memref<1x128xf32, #tpu.memory_space<hbm>>
      %dma_wait3A_217 = tpu.memref_squeeze %dma_wait3A_216 : memref<1x128xf32, #tpu.memory_space<hbm>> -> memref<128xf32, #tpu.memory_space<hbm>>
      tpu.wait_dma2 semaphore(%run_scoped3A : memref<!tpu.dma_semaphore, #tpu.memory_space<semaphore_mem>>) src(%arg11 : memref<128xf32, #tpu.memory_space<vmem>>) dst(%dma_wait3A_217 : memref<128xf32, #tpu.memory_space<hbm>>)
      tpu.yield
    }) : () -> ()
    return
  }
}

</mosaic_0001>

<sc_bundles>
// kernel: _reg_loss_sc.3.cloned.1.call-start
scs
__scs_entry_jumppad:
0x0: {  	(pc) =	sbr.rel $0x88, $3  }
0x1: {  	(tag) =	ssettag $0x0;
	lr =	simm.s32 $0x1  }
0x2: {  	[smem:$0x3F9E] =	sst lr;
	_ =	strace $0xD0000000  }
0x3: {  	_ = 	snop  }
0x4: {  	_ = 	snop  }
0x5: {  	_ = 	snop  }
0x6: {  	_ = 	snop  }
0x7: {  	_ = 	snop  }
__scs_overlays_trampoline_lowered:
0x8: {  	[smem:$0x3FAD] =	sst s0  }
0x9: {  	[smem:$0x3FAE] =	sst s1  }
0xa: {  	[smem:$0x3FAF] =	sst s2  }
0xb: {  	[smem:$0x3FB0] =	sst s3  }
0xc: {  	[smem:$0x3FB1] =	sst s4  }
0xd: {  	[smem:$0x3FB2] =	sst s5  }
0xe: {  	[smem:$0x3FB3] =	sst s6  }
0xf: {  	[smem:$0x3FB4] =	sst s7  }
0x10: {  	[smem:$0x3FB5] =	sst s8  }
0x11: {  	[smem:$0x3FB6] =	sst s9;
	s0 =	simm.s32 @!p0 $0x0  }
0x12: {  	s1 =	sld [smem:$0x3F9C];
	s0 =	simm.s32 @p0 $0x1  }
0x13: {  	[smem:$0x3FB7] =	sst s0;
	s0 =	simm.s32 @!p1 $0x0  }
0x14: {  	s2 =	sld [smem:$0x3F9B];
	s0 =	simm.s32 @p1 $0x1  }
0x15: {  	[smem:$0x3FB8] =	sst s0;
	s0 =	simm.s32 @!p2 $0x0  }
0x16: {  	s3 =	sld [smem:$0x3FDB];
	s0 =	simm.s32 @p2 $0x1  }
0x17: {  	s4 =	simm.s32 $0x1BF5;
	[smem:$0x3FBA] =	sst s0  }
0x18: {  	s0 =	sld [smem:$0x3F9D];
	_ =	swait.ge [sflag:s4], $0x0  }
0x19: {  	s7 =	sld [smem:$0x3F9E]  }
0x1a: {  	s8 =	sadd.s32 $0xFFFFE003, lr  }
0x1b: {  	s9 =	sadd.s32 $0xFFFFFEF7, lr;
	s5 =	simm.s32 $0xFFFFFFFF;
	p2 =	slt.u32 s8, $0xFFFFF086  }
0x1c: {  	p1 =	slt.u32 s9, $0xF7A;
	s5 =	simm.s32 @!p2 $0x0  }
0x1d: {  	s5 =	simm.s32 @p1 $0x1;
	p0 =	seq.s32 s7, s2  }
0x1e: {  	s7 =	smul.u32 @!p0 $0xF7A, s2;
	p2 =	seq.s32 @!p0 s5, $0x0  }
0x1f: {  	s9 =	smul.u32 $0xF7A, s1;
	s8 =	simm.s32 @!p0 $0x1BF5;
	p2 =	por !p2, p0  }
0x20: {  	[sflag:s8] =	ssyncset.s32 @!p0 $0xFFFFF086;
	s6 =	sadd.s32 @!p0 s3, s7;
	s7 =	simm.s32 @!p0 $0x108  }
0x21: {  	s3 =	sadd.s32 s3, s9;
	s6 =	sadd.s32 @!p0 $0x88, s6;
	s7 =	simm.s32 @p2 $0x1082  }
0x22: {  	[simem:s7], [sflag:s8] =	dma.local @!p0 [hbm:s6], $0xF7A  }
0x23: {  	s9 =	sor.u32 $0xD0000000, s2;
	s6 =	simm.s32 $0x108;
	_ =	swait.ge @!p0 [sflag:s8], $0x0  }
0x24: {  	s3 =	sadd.s32 $0x88, s3;
	s6 =	simm.s32 @!p1 $0x1082;
	[sflag:s4] =	ssyncset.s32 $0xFFFFF086  }
0x25: {  	[simem:s6], [sflag:s4] =	dma.local [hbm:s3], $0xF7A  }
0x26: {  	[smem:$0x3F9E] =	sst s1;
	(tag) =	ssettag s2;
	_ =	strace s9  }
0x27: {  	s1 =	sld [smem:$0x3FAE]  }
0x28: {  	s2 =	sld [smem:$0x3FAF]  }
0x29: {  	s4 =	sld [smem:$0x3FB1]  }
0x2a: {  	p0 =	seq.s32 s5, $0x0;
	s5 =	sld [smem:$0x3FB2]  }
0x2b: {  	s6 =	sld [smem:$0x3FB3]  }
0x2c: {  	s7 =	sld [smem:$0x3FB4]  }
0x2d: {  	s3 =	simm.s32 $0x108;
	s8 =	sld [smem:$0x3FB5]  }
0x2e: {  	s3 =	simm.s32 @!p0 $0x1082;
	s9 =	sld [smem:$0x3FB6]  }
0x2f: {  	lr =	sadd.s32 s0, s3;
	s0 =	sld [smem:$0x3FAD]  }
0x30: {  	s3 =	sld [smem:$0x3FB0]  }
0x31: {  	[smem:$0x3FB9] =	sst s10  }
0x32: {  	s10 =	sld [smem:$0x3FB7];
	_ =	sdelay $0x3  }
0x33: {  	p0 =	seq.s32 s10, $0x1;
	s10 =	sld [smem:$0x3FB9];
	_ =	sdelay $0x3  }
0x34: {  	[smem:$0x3FB9] =	sst s10  }
0x35: {  	s10 =	sld [smem:$0x3FB8];
	_ =	sdelay $0x3  }
0x36: {  	p1 =	seq.s32 s10, $0x1;
	s10 =	sld [smem:$0x3FB9];
	_ =	sdelay $0x3  }
0x37: {  	[smem:$0x3FB9] =	sst s10  }
0x38: {  	s10 =	sld [smem:$0x3FBA]  }
0x39: {  	_ = 	snop;
	(pc) =	sbr.ind lr, $3  }
0x3a: {  	_ = 	snop  }
0x3b: {  	_ = 	snop  }
0x3c: {  	p2 =	seq.s32 s10, $0x1;
	s10 =	sld [smem:$0x3FB9]  }
0x3d: {  	_ =	shalt  }
0x3e: {  	_ =	shalt  }
0x3f: {  	_ =	shalt  }
0x40: {  	_ =	shalt  }
0x41: {  	_ =	shalt  }
0x42: {  	_ =	shalt  }
0x43: {  	_ =	shalt  }
0x44: {  	_ =	shalt  }
0x45: {  	_ =	shalt  }
0x46: {  	_ =	shalt  }
0x47: {  	_ =	shalt  }
0x48: {  	_ =	shalt  }
0x49: {  	_ =	shalt  }
0x4a: {  	_ =	shalt  }
0x4b: {  	_ =	shalt  }
0x4c: {  	_ =	shalt  }
0x4d: {  	_ =	shalt  }
0x4e: {  	_ =	shalt  }
0x4f: {  	_ =	shalt  }
0x50: {  	_ =	shalt  }
0x51: {  	_ =	shalt  }
0x52: {  	_ =	shalt  }
0x53: {  	_ =	shalt  }
0x54: {  	_ =	shalt  }
0x55: {  	_ =	shalt  }
0x56: {  	_ =	shalt  }
0x57: {  	_ =	shalt  }
0x58: {  	_ =	shalt  }
0x59: {  	_ =	shalt  }
0x5a: {  	_ =	shalt  }
0x5b: {  	_ =	shalt  }
0x5c: {  	_ =	shalt  }
0x5d: {  	_ =	shalt  }
0x5e: {  	_ =	shalt  }
0x5f: {  	_ =	shalt  }
0x60: {  	_ =	shalt  }
0x61: {  	_ =	shalt  }
0x62: {  	_ =	shalt  }
0x63: {  	_ =	shalt  }
0x64: {  	_ =	shalt  }
0x65: {  	_ =	shalt  }
0x66: {  	_ =	shalt  }
0x67: {  	_ =	shalt  }
0x68: {  	_ =	shalt  }
0x69: {  	_ =	shalt  }
0x6a: {  	_ =	shalt  }
0x6b: {  	_ =	shalt  }
0x6c: {  	_ =	shalt  }
0x6d: {  	_ =	shalt  }
0x6e: {  	_ =	shalt  }
0x6f: {  	_ =	shalt  }
0x70: {  	_ =	shalt  }
0x71: {  	_ =	shalt  }
0x72: {  	_ =	shalt  }
0x73: {  	_ =	shalt  }
0x74: {  	_ =	shalt  }
0x75: {  	_ =	shalt  }
0x76: {  	_ =	shalt  }
0x77: {  	_ =	shalt  }
0x78: {  	_ =	shalt  }
0x79: {  	_ =	shalt  }
0x7a: {  	_ =	shalt  }
0x7b: {  	_ =	shalt  }
0x7c: {  	_ =	shalt  }
0x7d: {  	_ =	shalt  }
0x7e: {  	_ =	shalt  }
0x7f: {  	_ =	shalt  }
0x80: {  	_ =	shalt  }
0x81: {  	_ =	shalt  }
0x82: {  	_ =	shalt  }
0x83: {  	_ =	shalt  }
0x84: {  	_ =	shalt  }
0x85: {  	_ =	shalt  }
0x86: {  	_ =	shalt  }
0x87: {  	_ =	shalt  }
.Lfunc_end0:
.L_simem_size_0:
called_computation_lowered:
.L_overlay_start_0:
0x88: {  	s0 =	sld [smem:$0x3FD9]  }
0x89: {  	s1 =	sld [smem:$0x3FFE];
	_ =	sdelay $0x3  }
0x8a: {  	s0 =	sadd.s32 s1, s0  }
0x8b: {  	[smem:$0x3FC5] =	sst s0  }
0x8c: {  	_ = 	snop  }
0x8d: {  	s0 =	sld [smem:$0x3FC9]  }
0x8e: {  	s16 =	sld [smem:$0x3FC8]  }
0x8f: {  	s2 =	sld [smem:$0x3FC7];
	(tm) =	ssettm $0x1  }
0x90: {  	s3 =	sld [smem:$0x3FFB];
	_ =	sdelay $0x3  }
0x91: {  	_ =	strace s3  }
0x92: {  	s3 =	sld [smem:$0x3FFC];
	_ =	sdelay $0x3  }
0x93: {  	_ =	strace s3  }
0x94: {  	s3 =	sld [smem:$0x3FFD];
	_ =	sdelay $0x3  }
0x95: {  	_ =	strace s3  }
0x96: {  	_ =	strace $0x8FFFFFFF  }
0x97: {  	s17 =	sld [smem:$0x3FDB];
	_ =	sdelay $0x1  }
0x98: {  	s4 =	simm.s32 $_scs_section_size  }
0x99: {  	s5 =	simm.s32 $_size__tile_overlayer_lowered;
	s6 =	simm.s32 $_tile_overlayer_lowered  }
0x9a: {  	s20 =	simm.s32 $0x1BFF;
	s19 =	sshll.u32 s6, $0x1;
	s3 =	sadd.s32 s4, s17  }
0x9b: {  	s7 =	simm.s32 $0x0;
	s18 =	sshll.u32 s5, $0x1;
	s5 =	sadd.s32 s19, s3  }
0x9c: {  	[timem:s7], [sflag:s20] =	dma.local [hbm:s5], s18  }
0x9d: {  	_ =	swait.ge [sflag:s20], s18  }
0x9e: {  	s4 =	ssub.s32 $0x0, s18;
	[sflag:s20] =	ssyncset.done $0x0  }
0x9f: {  	[sflag:s20] =	ssyncadd.s32 s4;
	_ =	sdelay $0x1  }
0xa0: {  	s21 =	simm.s32 $0x1B8B  }
0xa1: {  	_ =	swait.ge [sflag:s21], $0x1  }
0xa2: {  	[sflag:s21] =	ssyncset.done $0x0  }
0xa3: {  	s23 =	simm.s32 $0x1B8E;
	s22 =	sld [smem:$0x3FFE];
	[sflag:s21] =	ssyncadd.s32 $0xFFFFFFFF  }
0xa4: {  	s24 =	simm.s32 $execute0_lowered;
	[smem:$0x3FD2] =	sst s23  }
0xa5: {  	s5 =	sshll.u32 s24, $0x1;
	_ =	strace $0x80000046;
	[dreg:$0x1] =	wrdreg $0xFFFFFFFF  }
0xa6: {  	s25 =	simm.s32 $_size_execute0_lowered;
	s3 =	sadd.s32 s3, s5;
	[dreg:$0x0] =	wrdreg $0x0  }
0xa7: {  	s5 =	sshll.u32 s25, $0x1;
	[dreg:$0x2] =	wrdreg s3  }
0xa8: {  	[dreg:$0x3] =	wrdreg s5  }
0xa9: {  	[dreg:$0x4] =	wrdreg $0xC0  }
0xaa: {  	_ =	task [dreg:s7], $0x5FFFF  }
0xab: {  	[dreg:$0x1] =	wrdreg $0xFFFFFFFF  }
0xac: {  	[dreg:$0x0] =	wrdreg $0x60  }
0xad: {  	[dreg:$0x2] =	wrdreg s0  }
0xae: {  	[dreg:$0x3] =	wrdreg s16  }
0xaf: {  	[dreg:$0x4] =	wrdreg s2  }
0xb0: {  	[dreg:$0x5] =	wrdreg s22  }
0xb1: {  	[dreg:$0x6] =	wrdreg $0x9  }
0xb2: {  	_ =	task.clear_ibuf [dreg:s7], $0x7FFFF;
	_ =	strace $0x90000046  }
0xb3: {  	s26 =	simm.s32 $0x9;
	_ =	strace $0x80000048  }
0xb4: {  	_ =	swait.ge [sflag:s26], $0x1  }
0xb5: {  	[sflag:s26] =	ssyncadd.s32 $0xFFFFFFFF  }
0xb6: {  	_ =	strace $0x90000048  }
0xb7: {  	_ =	sfence  }
0xb8: {  	s28 =	sld [smem:$0x0];
	_ =	sdelay $0x1  }
0xb9: {  	s29 =	srdreg.scid  }
0xba: {  	s30 =	sshll.u32 s29, $0xD;
	s31 =	sshrl.u32 s29, $0x2  }
0xbb: {  	s1 =	sand.u32 $0x1, s29;
	s2 =	sand.u32 $0x4000, s30;
	s0 =	sadd.s32 s31, s28  }
0xbc: {  	s1 =	sor.u32 s2, s1;
	s0 =	sshll.u32 s0, $0x11  }
0xbd: {  	s0 =	sor.u32 s0, s1  }
0xbe: {  	s0 =	sadd.s32 $0x8F2B, s0  }
0xbf: {  	[sflag:s0] =	ssyncadd.remote.s32 $0x1  }
0xc0: {  	_ =	sfence.sel $0xFFFF  }
0xc1: {  	[dreg:$0x0] =	wrdreg $0xFFFFFFFF;
	(pc) =	sbr.abs _section_cstart, $3  }
0xc2: {  	[dreg:$0x1] =	wrdreg $0xFFFFFFFF  }
0xc3: {  	_ =	task.clear_ibuf [dreg:s7], $0x2FFFF;
	_ =	strace $0x9FFFFFFF  }
0xc4: {  	(tm) =	ssettm $0x7FFFFFFF  }
0xc5: {  	_ =	shalt  }
tec
execute0_lowered:
.L_overlay_start_1:
0x0: {  	(tag) =	ssettag $0x1  }
0x1: {  	s5 =	rddreg [dreg:$0x0]  }
0x2: {  	s7 =	rddreg [dreg:$0x1]  }
0x3: {  	s0 =	stileid.u32;
	s8 =	rddreg [dreg:$0x2]  }
0x4: {  	s2 =	rddreg [dreg:$0x3];
	s3 =	sshrl.u32 s0, $0x3  }
0x5: {  	s6 =	simm.s32 $0x0;
	s1 =	sshll.u32 s0, $0x7;
	s9 =	smul.u32 $0x3000, s3  }
0x6: {  	s11 =	simm.s32 $0x80;
	s12 =	simm.s32 $0x400;
	s4 =	sand.u32 $0x380, s1  }
0x7: {  	s13 =	simm.s32 $0x200;
	[smem:$0x7FF] =	sst s6;
	s9 =	sor.u32 s4, s9  }
0x8: {  	s1 =	rddreg [dreg:$0x4];
	_ =	strace $0x80000047;
	s10 =	sshrl.u32 s9, $0x3  }
0x9: {  	s28 =	sshll.u32 s3, $0xC;
	s9 =	sadd.s32 $0x1000, s9;
	s10 =	sadd.s32 s8, s10  }
0xa: {  	[tilespmem:s13], [sflag:$0x2] =	stream.strided.gather [hbm4b:s10+s11], $0x200, s12, s11, $0x38;
	[tilespmem:$0x1080] =	vst v63  }
0xb: {  	s9 =	sshrl.u32 s9, $0x3;
	s10 =	sor.u32 s4, s28  }
0xc: {  	s8 =	sadd.s32 s8, s9;
	s29 =	sshrl.u32 s10, $0x3  }
0xd: {  	[tilespmem:s12], [sflag:$0x2] =	stream.strided.gather [hbm4b:s8+s11], $0x400, s12, s11, $0x38;
	[tilespmem:$0x1080] =	vst v63  }
0xe: {  	s30 =	simm.s32 $0x4;
	s7 =	sadd.s32 s7, s29  }
0xf: {  	[tilespmem:s6], [sflag:$0x4] =	stream.strided.gather [hbm4b:s7+s11], $0x200, s12, s11, $0x38;
	[tilespmem:$0x1080] =	vst v63  }
0x10: {  	_ =	swait.ge [sflag:s30], $0x200  }
0x11: {  	s31 =	sshll.u32 s0, $0x13;
	s9 =	simm.s32 $0x0;
	[sflag:s30] =	ssyncset.done $0x0  }
0x12: {  	v0 =	vmov s31;
	s8 =	simm.s32 $0x10;
	s7 =	simm.s32 $0x0;
	[sflag:s30] =	ssyncadd.s32 $0xFFFFFE00  }
.LBB2_1:
0x13: {  	p0 =	sne.s32 s8, $0xF0;
	v1 =	vld [tilespmem:s9+$0x0];
	_ =	sdelay $0x4  }
0x14: {  	v2 =	vand.u32 $0xFFFFF000, v1;
	v3 =	vshll.u32 v1, $0x3  }
0x15: {  	v4 =	vshrl.u32 v1, $0x2;
	v2 =	vadd.s32 v0, v2;
	v3 =	vand.u32 $0xC00, v3  }
.Ltmp0:
0x16: {  	s9 =	sshrl.u32 s6, $0x2;
	v2 =	vor.u32 v3, v2;
	v3 =	vand.u32 $0x380, v4;
	(pc) =	sbr.rel @p0 .LBB2_1-.Ltmp0, $4  }
0x17: {  	s10 =	sand.u32 $0x70, s7;
	s7 =	smov.u32 s8;
	s9 =	sand.u32 $0x80, s9;
	v1 =	vand.u32 $0x7F, v1;
	v2 =	vor.u32 v3, v2  }
0x18: {  	s10 =	sor.u32 s10, s9;
	v1 =	vor.u32 v1, v2  }
0x19: {  	s6 =	sadd.s32 $0x40, s6;
	[tilespmem:s10+$0x800] =	vst v1;
	v1 =	vadd.s32 $0x40000, v1  }
0x1a: {  	s8 =	sadd.s32 $0x10, s8;
	s9 =	sshra.s32 s6, $0x2;
	[tilespmem:s10+$0xA00] =	vst v1  }
0x1b: {  	v1 =	vld [tilespmem:s9+$0x0];
	_ =	sdelay $0x4  }
0x1c: {  	v2 =	vand.u32 $0xFFFFF000, v1;
	v3 =	vshll.u32 v1, $0x3  }
0x1d: {  	v4 =	vshrl.u32 v1, $0x2;
	v2 =	vadd.s32 v0, v2;
	v3 =	vand.u32 $0xC00, v3  }
0x1e: {  	s6 =	sshrl.u32 s6, $0x2;
	v2 =	vor.u32 v3, v2;
	v3 =	vand.u32 $0x380, v4  }
0x1f: {  	s7 =	sand.u32 $0x70, s7;
	s6 =	sand.u32 $0x80, s6;
	v1 =	vand.u32 $0x7F, v1;
	v2 =	vor.u32 v3, v2  }
0x20: {  	s6 =	sor.u32 s7, s6;
	v1 =	vor.u32 v1, v2  }
0x21: {  	s23 =	simm.s32 $0x80;
	[tilespmem:s6+$0x800] =	vst v1;
	v1 =	vadd.s32 $0x40000, v1  }
0x22: {  	s24 =	simm.s32 $0x800;
	s8 =	simm.s32 $0xC00;
	s25 =	simm.s32 $0x880;
	[tilespmem:s6+$0xA00] =	vst v1  }
0x23: {  	[tilespmem:s8], [sflag:$0x1] =	stream.indirect.gather [hbm4b:s5+s23], $0x1, s24, s23, $0xb8;
	[tilespmem:$0x1080] =	vst v63  }
0x24: {  	s26 =	simm.s32 $0xC80;
	s28 =	simm.s32 $0xA00;
	s29 =	simm.s32 $0xE00  }
0x25: {  	[tilespmem:s26], [sflag:$0x1] =	stream.indirect.gather [hbm4b:s5+s23], $0x1, s25, s23, $0xb8;
	[tilespmem:$0x1080] =	vst v63  }
0x26: {  	s30 =	simm.s32 $0xA80;
	s31 =	simm.s32 $0xE80;
	s9 =	simm.s32 $0x100  }
0x27: {  	[tilespmem:s29], [sflag:$0x1] =	stream.indirect.gather [hbm4b:s5+s23], $0x1, s28, s23, $0xb8;
	[tilespmem:$0x1080] =	vst v63  }
0x28: {  	s7 =	simm.s32 $0x400;
	s6 =	simm.s32 $0x100;
	s8 =	simm.s32 $0x110  }
0x29: {  	[tilespmem:s31], [sflag:$0x1] =	stream.indirect.gather [hbm4b:s5+s23], $0x1, s30, s23, $0xb8;
	[tilespmem:$0x1080] =	vst v63  }
.LBB2_3:
0x2a: {  	p0 =	sne.s32 s8, $0x1F0;
	v1 =	vld [tilespmem:s9+$0x0];
	_ =	sdelay $0x4  }
0x2b: {  	v2 =	vand.u32 $0xFFFFF000, v1;
	v3 =	vshll.u32 v1, $0x3  }
0x2c: {  	v4 =	vshrl.u32 v1, $0x2;
	v2 =	vadd.s32 v0, v2;
	v3 =	vand.u32 $0xC00, v3  }
.Ltmp1:
0x2d: {  	s9 =	sshrl.u32 s7, $0x2;
	v2 =	vor.u32 v3, v2;
	v3 =	vand.u32 $0x380, v4;
	(pc) =	sbr.rel @p0 .LBB2_3-.Ltmp1, $4  }
0x2e: {  	s10 =	sand.u32 $0x70, s6;
	s6 =	smov.u32 s8;
	s9 =	sand.u32 $0x180, s9;
	v1 =	vand.u32 $0x7F, v1;
	v2 =	vor.u32 v3, v2  }
0x2f: {  	s10 =	sor.u32 s10, s9;
	v1 =	vor.u32 v1, v2  }
0x30: {  	s7 =	sadd.s32 $0x40, s7;
	[tilespmem:s10+$0x800] =	vst v1;
	v1 =	vadd.s32 $0x40000, v1  }
0x31: {  	s8 =	sadd.s32 $0x10, s8;
	s9 =	sshra.s32 s7, $0x2;
	[tilespmem:s10+$0xA00] =	vst v1  }
0x32: {  	v1 =	vld [tilespmem:s9+$0x0];
	_ =	sdelay $0x4  }
0x33: {  	v2 =	vand.u32 $0xFFFFF000, v1;
	v3 =	vshll.u32 v1, $0x3  }
0x34: {  	v0 =	vadd.s32 v0, v2;
	v2 =	vand.u32 $0xC00, v3;
	v3 =	vshrl.u32 v1, $0x2  }
0x35: {  	s7 =	sshrl.u32 s7, $0x2;
	v0 =	vor.u32 v2, v0;
	v2 =	vand.u32 $0x380, v3  }
0x36: {  	s6 =	sand.u32 $0x70, s6;
	s7 =	sand.u32 $0x180, s7;
	v1 =	vand.u32 $0x7F, v1;
	v0 =	vor.u32 v2, v0  }
0x37: {  	s6 =	sor.u32 s6, s7;
	v0 =	vor.u32 v1, v0  }
0x38: {  	[tilespmem:s6+$0x800] =	vst v0;
	v0 =	vadd.s32 $0x40000, v0  }
0x39: {  	s30 =	simm.s32 $0x80;
	s31 =	simm.s32 $0x900;
	s8 =	simm.s32 $0xD00;
	[tilespmem:s6+$0xA00] =	vst v0  }
0x3a: {  	[tilespmem:s8], [sflag:$0x3] =	stream.indirect.gather [hbm4b:s5+s30], $0x1, s31, s30, $0xb8;
	[tilespmem:$0x1080] =	vst v63  }
0x3b: {  	s9 =	simm.s32 $0x980;
	s10 =	simm.s32 $0xD80  }
0x3c: {  	[tilespmem:s10], [sflag:$0x3] =	stream.indirect.gather [hbm4b:s5+s30], $0x1, s9, s30, $0xb8;
	[tilespmem:$0x1080] =	vst v63  }
0x3d: {  	s11 =	simm.s32 $0xB00;
	s12 =	simm.s32 $0xF00  }
0x3e: {  	[tilespmem:s12], [sflag:$0x3] =	stream.indirect.gather [hbm4b:s5+s30], $0x1, s11, s30, $0xb8;
	[tilespmem:$0x1080] =	vst v63  }
0x3f: {  	s13 =	simm.s32 $0xB80;
	s14 =	simm.s32 $0xF80;
	s15 =	simm.s32 $0x2  }
0x40: {  	[tilespmem:s14], [sflag:$0x3] =	stream.indirect.gather [hbm4b:s5+s30], $0x1, s13, s30, $0xb8;
	[tilespmem:$0x1080] =	vst v63  }
0x41: {  	_ =	swait.ge [sflag:s15], $0x200  }
0x42: {  	[sflag:s15] =	ssyncset.done $0x0  }
0x43: {  	[sflag:s15] =	ssyncadd.s32 $0xFFFFFE00  }
0x44: {  	_ =	swait.ge [sflag:s15], $0x400  }
0x45: {  	[sflag:s15] =	ssyncset.done $0x0  }
0x46: {  	s16 =	simm.s32 $0x1;
	[sflag:s15] =	ssyncadd.s32 $0xFFFFFC00  }
0x47: {  	_ =	swait.ge [sflag:s16], $0x80  }
0x48: {  	[sflag:s16] =	ssyncset.done $0x0  }
0x49: {  	[sflag:s16] =	ssyncadd.s32 $0xFFFFFF80  }
0x4a: {  	_ =	swait.ge [sflag:s16], $0x80  }
0x4b: {  	[sflag:s16] =	ssyncset.done $0x0  }
0x4c: {  	[sflag:s16] =	ssyncadd.s32 $0xFFFFFF80  }
0x4d: {  	_ =	swait.ge [sflag:s16], $0x80  }
0x4e: {  	[sflag:s16] =	ssyncset.done $0x0  }
0x4f: {  	[sflag:s16] =	ssyncadd.s32 $0xFFFFFF80  }
0x50: {  	_ =	swait.ge [sflag:s16], $0x80  }
0x51: {  	s17 =	simm.s32 $0x0;
	[sflag:s16] =	ssyncset.done $0x0  }
0x52: {  	s18 =	sand.u32 $0xF0, s17;
	[sflag:s16] =	ssyncadd.s32 $0xFFFFFF80  }
0x53: {  	s19 =	simm.s32 $0xC00;
	s20 =	sand.u32 $0x70, s17;
	s6 =	sand.u32 $0x100, s17;
	v0 =	vld [tilespmem:s18+$0xE00]  }
0x54: {  	s21 =	sor.u32 s20, s6;
	v1 =	vld [tilespmem:s19+$0x0]  }
0x55: {  	v2 =	vld [tilespmem:s21+$0x400]  }
0x56: {  	s22 =	simm.s32 $0x200;
	v3 =	vld [tilespmem:s21+$0x480]  }
0x57: {  	s23 =	simm.s32 $0x10;
	s24 =	simm.s32 $0x20;
	v5 =	vld [tilespmem:s22+$0x0]  }
0x58: {  	s25 =	sand.u32 $0x70, s23;
	s6 =	sand.u32 $0x100, s24;
	s5 =	sand.u32 $0xF0, s23  }
0x59: {  	s26 =	sor.u32 s25, s6;
	v7 =	vld [tilespmem:s5+$0xE00]  }
0x5a: {  	s28 =	simm.s32 $0xC10;
	v8 =	vld [tilespmem:s26+$0x480];
	v1 =	vsub.f32 v1, v2  }
0x5b: {  	v10 =	vld [tilespmem:s28+$0x0]  }
0x5c: {  	v11 =	vld [tilespmem:s26+$0x400];
	v0 =	vsub.f32 v0, v3;
	v3 =	vmul.f32 v1, v5  }
0x5d: {  	s5 =	simm.s32 $0x210  }
0x5e: {  	v4 =	vimm.f32 $0.0e+00;
	s29 =	simm.s32 $0x20;
	s6 =	simm.s32 $0x40;
	v6 =	vmul.f32 v0, v5;
	v1 =	vld [tilespmem:s5+$0x0];
	v9 =	vmul.f32 $5.000000000e-01, v3  }
0x5f: {  	s7 =	sand.u32 $0xF0, s29;
	s31 =	sand.u32 $0x100, s6;
	s30 =	sand.u32 $0x70, s29;
	v2 =	vadd.f32 v5, v4;
	v5 =	vsub.f32 v7, v8;
	v12 =	vand.u32 $0x7FFFFFFF, v3  }
0x60: {  	s9 =	sor.u32 s30, s31;
	v0 =	vld [tilespmem:s7+$0xE00];
	v8 =	vmul.f32 $5.000000000e-01, v6;
	v7 =	vmul.f32 v9, v3;
	v9 =	vadd.f32 $-5.000000000e-01, v12  }
0x61: {  	s8 =	simm.s32 $0xC20;
	v10 =	vsub.f32 v10, v11;
	s7 =	simm.s32 $0x30;
	v11 =	vand.u32 $0x7FFFFFFF, v6;
	vm0 =	vlt.f32 v12, $1.000000000e+00;
	v3 =	vld [tilespmem:s9+$0x480]  }
.LBB2_5:
0x62: {  	p0 =	sne.s32 s7, $0xF0;
	v12 =	vld [tilespmem:s8+$0x0];
	v7 =	vsel vm0, v7, v9;
	v6 =	vmul.f32 v8, v6;
	v8 =	vadd.f32 $-5.000000000e-01, v11  }
0x63: {  	vm0 =	vlt.f32 v11, $1.000000000e+00;
	v13 =	vld [tilespmem:s9+$0x400];
	v9 =	vmul.f32 v10, v1;
	v4 =	vadd.f32 v7, v4  }
.Ltmp2:
0x64: {  	s5 =	sadd.s32 $0x10, s5;
	v2 =	vadd.f32 v1, v2;
	v7 =	vsel vm0, v6, v8;
	(pc) =	sbr.rel @p0 .LBB2_5-.Ltmp2, $4  }
0x65: {  	s6 =	sadd.s32 $0x20, s6;
	v6 =	vmul.f32 v5, v1;
	v1 =	vld [tilespmem:s5+$0x0];
	v8 =	vmul.f32 $5.000000000e-01, v9;
	v4 =	vadd.f32 v7, v4  }
0x66: {  	s10 =	sand.u32 $0xF0, s7;
	s9 =	sand.u32 $0x70, s7;
	s11 =	sand.u32 $0x100, s6;
	v14 =	vand.u32 $0x7FFFFFFF, v9;
	v5 =	vsub.f32 v0, v3  }
0x67: {  	s9 =	sor.u32 s9, s11;
	v0 =	vld [tilespmem:s10+$0xE00];
	v7 =	vmul.f32 v8, v9;
	v9 =	vadd.f32 $-5.000000000e-01, v14;
	v8 =	vmul.f32 $5.000000000e-01, v6  }
0x68: {  	s8 =	sadd.s32 $0x10, s8;
	s7 =	sadd.s32 $0x10, s7;
	v11 =	vand.u32 $0x7FFFFFFF, v6;
	vm0 =	vlt.f32 v14, $1.000000000e+00;
	v3 =	vld [tilespmem:s9+$0x480];
	v10 =	vsub.f32 v12, v13  }
0x69: {  	v12 =	vld [tilespmem:s8+$0x0]  }
0x6a: {  	v13 =	vld [tilespmem:s9+$0x400];
	s5 =	sadd.s32 $0x10, s5;
	s20 =	simm.s32 $0x3  }
0x6b: {  	v14 =	vld [tilespmem:s5+$0x0];
	_ =	swait.ge [sflag:s20], $0x80  }
0x6c: {  	[sflag:s20] =	ssyncset.done $0x0  }
0x6d: {  	[sflag:s20] =	ssyncadd.s32 $0xFFFFFF80  }
0x6e: {  	_ =	swait.ge [sflag:s20], $0x80  }
0x6f: {  	[sflag:s20] =	ssyncset.done $0x0  }
0x70: {  	[sflag:s20] =	ssyncadd.s32 $0xFFFFFF80  }
0x71: {  	v7 =	vsel vm0, v7, v9;
	_ =	swait.ge [sflag:s20], $0x80  }
0x72: {  	v6 =	vmul.f32 v8, v6;
	v8 =	vadd.f32 $-5.000000000e-01, v11;
	v9 =	vmul.f32 v10, v1;
	[sflag:s20] =	ssyncset.done $0x0  }
0x73: {  	vm0 =	vlt.f32 v11, $1.000000000e+00;
	v4 =	vadd.f32 v7, v4;
	v2 =	vadd.f32 v1, v2;
	[sflag:s20] =	ssyncadd.s32 $0xFFFFFF80  }
0x74: {  	v1 =	vmul.f32 v5, v1;
	v6 =	vsel vm0, v6, v8;
	v5 =	vmul.f32 $5.000000000e-01, v9;
	_ =	swait.ge [sflag:s20], $0x80  }
0x75: {  	s6 =	simm.s32 $0x100;
	v4 =	vadd.f32 v6, v4;
	v6 =	vand.u32 $0x7FFFFFFF, v9;
	v7 =	vsub.f32 v12, v13;
	[sflag:s20] =	ssyncset.done $0x0  }
0x76: {  	s21 =	simm.s32 $0x200;
	s7 =	sand.u32 $0x1F0, s6;
	v8 =	vadd.f32 $-5.000000000e-01, v6;
	v5 =	vmul.f32 v5, v9;
	v9 =	vmul.f32 $5.000000000e-01, v1;
	[sflag:s20] =	ssyncadd.s32 $0xFFFFFF80  }
0x77: {  	s22 =	simm.s32 $0xD00;
	s6 =	sand.u32 $0x70, s6;
	s5 =	sand.u32 $0x300, s21;
	v0 =	vsub.f32 v0, v3;
	vm0 =	vlt.f32 v6, $1.000000000e+00;
	v3 =	vmul.f32 v7, v14;
	v10 =	vld [tilespmem:s7+$0xE00]  }
0x78: {  	s5 =	sor.u32 s6, s5;
	v7 =	vand.u32 $0x7FFFFFFF, v1;
	v5 =	vsel vm0, v5, v8;
	v1 =	vmul.f32 v9, v1;
	v6 =	vld [tilespmem:s22+$0x0]  }
0x79: {  	v9 =	vadd.f32 $-5.000000000e-01, v7;
	vm0 =	vlt.f32 v7, $1.000000000e+00;
	v7 =	vmul.f32 $5.000000000e-01, v3;
	v8 =	vld [tilespmem:s5+$0x400]  }
0x7a: {  	s23 =	simm.s32 $0x300;
	v0 =	vmul.f32 v0, v14;
	v4 =	vadd.f32 v5, v4;
	v5 =	vand.u32 $0x7FFFFFFF, v3;
	v11 =	vld [tilespmem:s5+$0x480]  }
0x7b: {  	s25 =	simm.s32 $0x110;
	v1 =	vsel vm0, v1, v9;
	v3 =	vmul.f32 v7, v3;
	v7 =	vadd.f32 $-5.000000000e-01, v5;
	v61 =	vld [tilespmem:s23+$0x0]  }
0x7c: {  	s24 =	simm.s32 $0x220;
	s6 =	sand.u32 $0x1F0, s25;
	vm0 =	vlt.f32 v5, $1.000000000e+00;
	v1 =	vadd.f32 v1, v4;
	v4 =	vmul.f32 $5.000000000e-01, v0  }
0x7d: {  	s28 =	simm.s32 $0xD10;
	s26 =	sand.u32 $0x70, s25;
	s5 =	sand.u32 $0x300, s24;
	v5 =	vld [tilespmem:s6+$0xE00];
	v3 =	vsel vm0, v3, v7;
	v7 =	vand.u32 $0x7FFFFFFF, v0  }
0x7e: {  	v0 =	vmul.f32 v4, v0;
	v62 =	vld [tilespmem:s28+$0x0];
	s5 =	sor.u32 s26, s5;
	v4 =	vadd.f32 $-5.000000000e-01, v7;
	v6 =	vsub.f32 v6, v8  }
0x7f: {  	v1 =	vadd.f32 v3, v1;
	v8 =	vld [tilespmem:s5+$0x480];
	v3 =	vsub.f32 v10, v11  }
0x80: {  	vm0 =	vlt.f32 v7, $1.000000000e+00;
	v10 =	vld [tilespmem:s5+$0x400];
	v7 =	vmul.f32 v6, v61  }
0x81: {  	v9 =	vadd.f32 v14, v2;
	v0 =	vsel vm0, v0, v4;
	s5 =	simm.s32 $0x310;
	v6 =	vmul.f32 v3, v61  }
0x82: {  	s29 =	simm.s32 $0x240;
	s6 =	simm.s32 $0x120;
	v2 =	vadd.f32 v0, v1;
	v1 =	vld [tilespmem:s5+$0x0];
	v11 =	vmul.f32 $5.000000000e-01, v7  }
0x83: {  	s7 =	sand.u32 $0x300, s29;
	s30 =	sand.u32 $0x70, s6;
	s31 =	sand.u32 $0x1F0, s6;
	v0 =	vadd.f32 v61, v9;
	v63 =	vand.u32 $0x7FFFFFFF, v7;
	v9 =	vmul.f32 $5.000000000e-01, v6  }
0x84: {  	s9 =	sor.u32 s30, s7;
	v3 =	vld [tilespmem:s31+$0xE00];
	v4 =	vsub.f32 v5, v8;
	v8 =	vadd.f32 $-5.000000000e-01, v63;
	v7 =	vmul.f32 v11, v7  }
0x85: {  	s8 =	simm.s32 $0xD20;
	s7 =	simm.s32 $0x260;
	v5 =	vld [tilespmem:s9+$0x480];
	v10 =	vsub.f32 v62, v10;
	vm0 =	vlt.f32 v63, $1.000000000e+00;
	v11 =	vand.u32 $0x7FFFFFFF, v6  }
.LBB2_7:
0x86: {  	p0 =	sne.s32 s7, $0x3E0;
	v12 =	vld [tilespmem:s8+$0x0];
	v7 =	vsel vm0, v7, v8;
	v6 =	vmul.f32 v9, v6;
	v8 =	vadd.f32 $-5.000000000e-01, v11  }
0x87: {  	vm0 =	vlt.f32 v11, $1.000000000e+00;
	v13 =	vld [tilespmem:s9+$0x400];
	v9 =	vmul.f32 v10, v1;
	v2 =	vadd.f32 v7, v2  }
.Ltmp3:
0x88: {  	s5 =	sadd.s32 $0x10, s5;
	v0 =	vadd.f32 v1, v0;
	v7 =	vsel vm0, v6, v8;
	(pc) =	sbr.rel @p0 .LBB2_7-.Ltmp3, $4  }
0x89: {  	s6 =	sadd.s32 $0x10, s6;
	v6 =	vmul.f32 v4, v1;
	v1 =	vld [tilespmem:s5+$0x0];
	v8 =	vmul.f32 $5.000000000e-01, v9;
	v2 =	vadd.f32 v7, v2  }
0x8a: {  	s11 =	sand.u32 $0x300, s7;
	s9 =	sand.u32 $0x70, s6;
	s10 =	sand.u32 $0x1F0, s6;
	v14 =	vand.u32 $0x7FFFFFFF, v9;
	v4 =	vsub.f32 v3, v5  }
0x8b: {  	s9 =	sor.u32 s9, s11;
	v3 =	vld [tilespmem:s10+$0xE00];
	v7 =	vmul.f32 v8, v9;
	v8 =	vadd.f32 $-5.000000000e-01, v14;
	v9 =	vmul.f32 $5.000000000e-01, v6  }
0x8c: {  	s7 =	sadd.s32 $0x20, s7;
	s8 =	sadd.s32 $0x10, s8;
	v11 =	vand.u32 $0x7FFFFFFF, v6;
	vm0 =	vlt.f32 v14, $1.000000000e+00;
	v5 =	vld [tilespmem:s9+$0x480];
	v10 =	vsub.f32 v12, v13  }
0x8d: {  	v12 =	vld [tilespmem:s8+$0x0]  }
0x8e: {  	v13 =	vld [tilespmem:s9+$0x400]  }
0x8f: {  	v7 =	vsel vm0, v7, v8;
	v6 =	vmul.f32 v9, v6;
	v44 =	vadd.f32 $-5.000000000e-01, v11;
	s5 =	sadd.s32 $0x10, s5  }
0x90: {  	vm11 =	vlt.f32 v11, $1.000000000e+00;
	v45 =	vmul.f32 v10, v1;
	v2 =	vadd.f32 v7, v2;
	v46 =	vld [tilespmem:s5+$0x0]  }
0x91: {  	v63 =	vimm.f32 $0.0e+00;
	v4 =	vmul.f32 v4, v1;
	v6 =	vsel vm11, v6, v44  }
0x92: {  	v0 =	vadd.f32 v1, v0;
	v47 =	vmul.f32 $5.000000000e-01, v45;
	v2 =	vadd.f32 v6, v2  }
0x93: {  	v48 =	vand.u32 $0x7FFFFFFF, v45;
	v51 =	vmul.f32 $5.000000000e-01, v4;
	v49 =	vsub.f32 v12, v13  }
0x94: {  	v52 =	vand.u32 $0x7FFFFFFF, v4;
	v3 =	vsub.f32 v3, v5;
	v50 =	vadd.f32 $-5.000000000e-01, v48  }
0x95: {  	vm12 =	vlt.f32 v48, $1.000000000e+00;
	v8 =	vmul.f32 v47, v45;
	v53 =	vmul.f32 v49, v46  }
0x96: {  	v55 =	vadd.f32 $-5.000000000e-01, v52;
	vm13 =	vlt.f32 v52, $1.000000000e+00;
	v4 =	vmul.f32 v51, v4  }
0x97: {  	v3 =	vmul.f32 v3, v46;
	v54 =	vsel vm12, v8, v50;
	v56 =	vmul.f32 $5.000000000e-01, v53  }
0x98: {  	v4 =	vsel vm13, v4, v55;
	v2 =	vadd.f32 v54, v2;
	v57 =	vand.u32 $0x7FFFFFFF, v53  }
0x99: {  	[tilespmem:$0x1020] =	vst v63;
	v59 =	vmul.f32 $5.000000000e-01, v3;
	v58 =	vadd.f32 $-5.000000000e-01, v57;
	v5 =	vmul.f32 v56, v53  }
0x9a: {  	[tilespmem:$0x1030] =	vst v63;
	v60 =	vand.u32 $0x7FFFFFFF, v3;
	v2 =	vadd.f32 v4, v2;
	vm14 =	vlt.f32 v57, $1.000000000e+00  }
0x9b: {  	[tilespmem:$0x1040] =	vst v63;
	v61 =	vadd.f32 $-5.000000000e-01, v60;
	v3 =	vmul.f32 v59, v3;
	v5 =	vsel vm14, v5, v58  }
0x9c: {  	[tilespmem:$0x1050] =	vst v63;
	vm15 =	vlt.f32 v60, $1.000000000e+00;
	v2 =	vadd.f32 v5, v2  }
0x9d: {  	s3 =	sshll.u32 s3, $0xA;
	[tilespmem:$0x1060] =	vst v63;
	v0 =	vadd.f32 v46, v0;
	v62 =	vsel vm15, v3, v61  }
0x9e: {  	s3 =	sor.u32 s4, s3;
	[tilespmem:$0x1070] =	vst v63;
	v1 =	vadd.f32 v62, v2  }
0x9f: {  	s29 =	simm.s32 $0x0;
	s3 =	sshrl.u32 s3, $0x3;
	[tilespmem:$0x1010] =	vst v0  }
0xa0: {  	s30 =	simm.s32 $0x1000;
	s31 =	simm.s32 $0x4;
	s2 =	sadd.s32 s2, s3;
	[tilespmem:$0x1000] =	vst v1  }
0xa1: {  	[hbm4b:s2+s29] =	stream.linear.scatter [tilespmem:s30], [sflag:$0x4], $0x80, $0x38;
	[tilespmem:$0x1080] =	vst v63  }
0xa2: {  	_ =	swait.ge [sflag:s31], $0x80  }
0xa3: {  	[sflag:s31] =	ssyncset.done $0x0  }
0xa4: {  	[sflag:s31] =	ssyncadd.s32 $0xFFFFFF80  }
0xa5: {  	_ =	sfence.sel $0x180000  }
0xa6: {  	[bflag:$0x0] =	sbarrier.arrive $0xFFFF  }
0xa7: {  	p0 =	sne.s32 s0, $0x0;
	_ =	strace $0x90000047  }
0xa8: {  	s0 =	sadd.s32 @!p0 $0x100000, s1;
	[bflag:$0x2] =	sbarrier.arrive $0xFFFF  }
0xa9: {  	[sflag:s0] =	ssyncadd.tile.s32 @!p0 $0x1;
	_ =	shalt  }
.Lfunc_end2:
_tile_overlayer_lowered:
.L_overlay_start_2:
0xaa: {  	(tag) =	ssettag $0x2  }
0xab: {  	s0 =	rddreg [dreg:$0x0];
	s2 =	stileid.u32  }
0xac: {  	s1 =	rddreg [dreg:$0x1];
	p0 =	sne.s32 s2, $0x0  }
0xad: {  	s3 =	rddreg [dreg:$0x2];
	[bflag:$0x3] =	sbarrier.arrive $0xFFFF;
	s2 =	simm.s32 @!p0 $0x1C04  }
0xae: {  	[timem:s3], [sflag:s2] =	dma.local @!p0 [hbm:s0], s1  }
0xaf: {  	s0 =	simm.s32 @!p0 $0x4  }
0xb0: {  	_ =	swait.ge @!p0 [sflag:s0], s1  }
0xb1: {  	s1 =	ssub.s32 @!p0 $0x0, s1;
	[sflag:s0] =	ssyncset.done @!p0 $0x0  }
0xb2: {  	[sflag:s0] =	ssyncadd.s32 @!p0 s1  }
0xb3: {  	[bflag:$0x3] =	sbarrier.arrive $0xFFFF  }
0xb4: {  	_ =	shalt  }

</sc_bundles>
